<compile_context>
chip_gen: v7x
topology: tpu7x:2x2x1
jax: 0.10.2.dev20260603
libtpu: 0.0.44.dev20260713+nightly
codegen_flags: <defaults>
</compile_context>

<pallas_src>
import functools

import jax
import jax.numpy as jnp
from jax import lax
from jax.experimental import pallas as pl
from jax.experimental.pallas import tpu as pltpu
from jax.experimental.pallas import tpu_sc as plsc

N = 10000
E = 320000
D = 128

NC = 2
NS = 16
NW = NC * NS
EPW = E // NW
CH = 50
NCHUNK = EPW // CH
G = 40
NGROUP = NCHUNK // G
RING = 5
RSTRIDE = 624
RWIN = 640

MBLK = 2000


def _mm_body(h_ref, w_ref, norm_ref, hw_ref):
    hw_ref[...] = jnp.dot(h_ref[...], w_ref[...],
                          preferred_element_type=jnp.float32) * norm_ref[...]


_mm_call = pl.pallas_call(
    _mm_body,
    grid=(N // MBLK,),
    in_specs=[
        pl.BlockSpec((MBLK, D), lambda i: (i, 0)),
        pl.BlockSpec((D, D), lambda i: (0, 0)),
        pl.BlockSpec((MBLK, 1), lambda i: (i, 0)),
    ],
    out_specs=pl.BlockSpec((MBLK, D), lambda i: (i, 0)),
    out_shape=jax.ShapeDtypeStruct((N, D), jnp.float32),
)


_sc_mesh = plsc.VectorSubcoreMesh(
    core_axis_name="c", subcore_axis_name="s", num_cores=NC, num_subcores=NS
)


@functools.partial(
    pl.kernel,
    out_type=jax.ShapeDtypeStruct((NC, N, D), jnp.float32),
    mesh=_sc_mesh,
    scratch_types=[
        pltpu.VMEM((G, CH), jnp.int32),
        pltpu.VMEM((G, CH), jnp.int32),
        pltpu.VMEM((RING, CH, D), jnp.float32),
        pltpu.VMEM_SHARED((N, D), jnp.float32),
        pltpu.SemaphoreType.DMA((RING,)),
        pltpu.SemaphoreType.DMA((RING,)),
    ],
)
def _sc_scatter(hw_hbm, edges_hbm, zeros_hbm, out_hbm,
                src_v, dst_v, rows_v, acc_sh, gsems, ssems):
    cid = lax.axis_index("c")
    sid = lax.axis_index("s")
    wid = sid * NC + cid

    def stage_and_prime(g):
        pltpu.sync_copy(edges_hbm.at[0, wid, pl.ds(g * G, G)], src_v)
        pltpu.sync_copy(edges_hbm.at[1, wid, pl.ds(g * G, G)], dst_v)
        for k in range(RING - 1):
            pltpu.async_copy(hw_hbm.at[src_v.at[k]], rows_v.at[k], gsems.at[k])

    pltpu.sync_copy(zeros_hbm, acc_sh.at[pl.ds(sid * RSTRIDE, RWIN)])
    stage_and_prime(0)
    plsc.subcore_barrier()

    def group(g, carry):
        def body(j, inner):
            p = lax.rem(j, RING)
            nq = lax.rem(j + RING - 1, RING)
            nxt = j + RING - 1

            @pl.when(jnp.logical_and(j >= 1, nxt < G))
            def _():
                pltpu.make_async_copy(rows_v.at[nq], acc_sh.at[dst_v.at[j - 1]],
                                      ssems.at[nq]).wait()

            @pl.when(nxt < G)
            def _():
                pltpu.async_copy(hw_hbm.at[src_v.at[nxt]], rows_v.at[nq], gsems.at[nq])

            pltpu.make_async_copy(hw_hbm.at[src_v.at[j]], rows_v.at[p], gsems.at[p]).wait()
            pltpu.async_copy(rows_v.at[p], acc_sh.at[dst_v.at[j]], ssems.at[p], add=True)
            return inner

        lax.fori_loop(0, G, body, 0)
        for c in range(G - RING, G):
            pltpu.make_async_copy(rows_v.at[c % RING], acc_sh.at[dst_v.at[c]],
                                  ssems.at[c % RING]).wait()

        @pl.when(g + 1 < NGROUP)
        def _():
            stage_and_prime(g + 1)
        return carry

    lax.fori_loop(0, NGROUP, group, 0)
    plsc.subcore_barrier()
    pltpu.sync_copy(acc_sh.at[pl.ds(sid * RSTRIDE, RWIN)],
                    out_hbm.at[cid, pl.ds(sid * RSTRIDE, RWIN)])


def _fin_body(agg_ref, norm_ref, b_ref, br_ref, h_ref, wr_ref, out_ref):
    agg = agg_ref[0] + agg_ref[1]
    res = lax.dot_general(h_ref[...], wr_ref[...], (((1,), (1,)), ((), ())),
                          preferred_element_type=jnp.float32)
    bias = b_ref[...] + br_ref[...]
    out_ref[...] = jnp.maximum(agg * norm_ref[...] + bias + res, 0.0)


_fin_call = pl.pallas_call(
    _fin_body,
    grid=(N // MBLK,),
    in_specs=[
        pl.BlockSpec((NC, MBLK, D), lambda i: (0, i, 0)),
        pl.BlockSpec((MBLK, 1), lambda i: (i, 0)),
        pl.BlockSpec((1, D), lambda i: (0, 0)),
        pl.BlockSpec((1, D), lambda i: (0, 0)),
        pl.BlockSpec((MBLK, D), lambda i: (i, 0)),
        pl.BlockSpec((D, D), lambda i: (0, 0)),
    ],
    out_specs=pl.BlockSpec((MBLK, D), lambda i: (i, 0)),
    out_shape=jax.ShapeDtypeStruct((N, D), jnp.float32),
)


def kernel(h, edge_index, norm, W, b, W_res, b_res):
    edges = edge_index.reshape(2, NW, NCHUNK, CH)
    hw = _mm_call(h, W, norm)
    zeros = jnp.zeros((RWIN, D), jnp.float32)
    aggs = _sc_scatter(hw, edges, zeros)
    return _fin_call(aggs, norm, b.reshape(1, D), b_res.reshape(1, D), h, W_res)

# --- scband reference (transcript-rebuilt; emitter-appended) ---
"""Pipeline reference for scband-gcnlayer-61538291417730 (READ-ONLY COPY).

The authoritative reference and input builder live on the scoring server;
editing this copy changes nothing except your own understanding.
"""

import jax, jax.numpy as jnp
import numpy as np
import math

N = 10000
E = 320000
D_IN = 128
D_OUT = 128


def setup_inputs(seed: int = 0) -> dict:
    key = jax.random.key(seed)
    ks = jax.random.split(key, 8)
    h = jax.random.normal(ks[0], (N, D_IN), dtype=jnp.float32)
    edge_index = jax.random.randint(ks[1], (2, E), 0, N, dtype=jnp.int32)
    # symmetric-normalization-style per-node scaling factor (positive)
    norm = jax.random.uniform(ks[2], (N, 1), dtype=jnp.float32, minval=0.05, maxval=1.0)
    # GCN weight: uniform(-stdv, stdv), stdv = 1/sqrt(out_feats)
    stdv = 1.0 / math.sqrt(D_OUT)
    W = jax.random.uniform(ks[3], (D_IN, D_OUT), dtype=jnp.float32, minval=-stdv, maxval=stdv)
    b = jax.random.uniform(ks[4], (D_OUT,), dtype=jnp.float32, minval=-stdv, maxval=stdv)
    # resconv: Conv1d(in_feats, out_feats, kernel=1) with kaiming_normal fan_out init
    res_std = math.sqrt(2.0 / D_OUT)
    W_res = jax.random.normal(ks[5], (D_OUT, D_IN), dtype=jnp.float32) * res_std
    b_res = jnp.zeros((D_OUT,), dtype=jnp.float32)
    return {"h": h, "edge_index": edge_index, "norm": norm, "W": W, "b": b, "W_res": W_res, "b_res": b_res}


def reference(h, edge_index, norm, W, b, W_res, b_res):
    src = edge_index[0]
    dst = edge_index[1]
    # dropout=0 in eval / disabled
    hw = h @ W
    hw = hw * norm
    # update_all(copy_src 'h' -> 'm', sum 'm' -> 'h'): scatter-add messages from src to dst
    msgs = jnp.take(hw, src, axis=0)
    agg = jnp.zeros((N, D_OUT), dtype=hw.dtype).at[dst].add(msgs)
    out = agg * norm
    out = out + b
    # residual branch: 1x1 Conv1d over feature dim == linear projection
    res = h @ W_res.T + b_res
    out = out + res
    return jax.nn.relu(out)

if __name__ == "__main__":
    import jax
    _d = setup_inputs()
    print(jax.jit(kernel)(*tuple(_d.values())))

</pallas_src>

<mosaic_0001>
#map = affine_map<(d0, d1) -> (0, 0)>
#map1 = affine_map<(d0, d1) -> (0, 0, 0, 0)>
#map2 = affine_map<(d0, d1) -> (0, 0, 0)>
module attributes {stable_mosaic.version = 14 : i64} {
  func.func @_sc_scatter(%arg0: i32, %arg1: i32, %arg2: memref<10000x128xf32, #tpu.memory_space<hbm>>, %arg3: memref<2x32x200x50xi32, #tpu.memory_space<hbm>>, %arg4: memref<640x128xf32, #tpu.memory_space<hbm>>, %arg5: memref<2x10000x128xf32, #tpu.memory_space<hbm>>, %arg6: memref<40x50xi32, #tpu.memory_space<vmem>>, %arg7: memref<40x50xi32, #tpu.memory_space<vmem>>, %arg8: memref<5x50x128xf32, #tpu.memory_space<vmem>>, %arg9: memref<10000x128xf32, #tpu.memory_space<vmem_shared>>, %arg10: memref<5x!tpu.dma_semaphore, #tpu.memory_space<semaphore_mem>>, %arg11: memref<5x!tpu.dma_semaphore, #tpu.memory_space<semaphore_mem>>) attributes {dimension_semantics = [#tpu.dimension_semantics<core_parallel>, #tpu.dimension_semantics<subcore_parallel>], iteration_bounds = array<i64: 2, 16>, scalar_prefetch = 0 : i64, scratch_operands = 6 : i64, tpu.core_type = #tpu.core_type<sc_vector_subcore>, window_params = [{transform_indices = #map}, {transform_indices = #map1}, {transform_indices = #map}, {transform_indices = #map2}]} {
    %mul3A = arith.constant 2 : i32
    %mul3A_0 = arith.muli %arg1, %mul3A : i32
    %add3A = arith.addi %mul3A_0, %arg0 : i32
    %mul3A_1 = arith.constant 624 : i32
    %mul3A_2 = arith.muli %arg1, %mul3A_1 : i32
    "tpu.region"() ({
      %run_scoped3A_73 = tpu.sem_alloc : memref<!tpu.dma_semaphore, #tpu.memory_space<semaphore_mem>>
      %dma_start3A_74 = arith.constant 0 : i32
      %dma_start3A_75 = tpu.memref_slice %arg9[%mul3A_2, %dma_start3A_74] : memref<10000x128xf32, #tpu.memory_space<vmem_shared>> -> memref<640x128xf32, #tpu.memory_space<vmem_shared>>
      tpu.enqueue_dma source(%arg4 : memref<640x128xf32, #tpu.memory_space<hbm>>) target(%dma_start3A_75 : memref<640x128xf32, #tpu.memory_space<vmem_shared>>) target_semaphore(%run_scoped3A_73 : memref<!tpu.dma_semaphore, #tpu.memory_space<semaphore_mem>>)
      %dma_wait3A = arith.constant 0 : i32
      %dma_wait3A_76 = tpu.memref_slice %arg9[%mul3A_2, %dma_wait3A] : memref<10000x128xf32, #tpu.memory_space<vmem_shared>> -> memref<640x128xf32, #tpu.memory_space<vmem_shared>>
      tpu.wait_dma2 semaphore(%run_scoped3A_73 : memref<!tpu.dma_semaphore, #tpu.memory_space<semaphore_mem>>) src(%arg4 : memref<640x128xf32, #tpu.memory_space<hbm>>) dst(%dma_wait3A_76 : memref<640x128xf32, #tpu.memory_space<vmem_shared>>)
      tpu.yield
    }) : () -> ()
    %run_scoped3A = arith.constant 0 : i32
    "tpu.region"() ({
      %run_scoped3A_73 = tpu.sem_alloc : memref<!tpu.dma_semaphore, #tpu.memory_space<semaphore_mem>>
      %dma_start3A_74 = arith.constant 0 : i32
      %dma_start3A_75 = arith.constant 0 : i32
      %dma_start3A_76 = tpu.memref_slice %arg3[%run_scoped3A, %add3A, %dma_start3A_74, %dma_start3A_75] : memref<2x32x200x50xi32, #tpu.memory_space<hbm>> -> memref<1x1x40x50xi32, #tpu.memory_space<hbm>>
      %dma_start3A_77 = tpu.memref_squeeze %dma_start3A_76 : memref<1x1x40x50xi32, #tpu.memory_space<hbm>> -> memref<40x50xi32, #tpu.memory_space<hbm>>
      %dma_start3A_78 = arith.constant 0 : i32
      %dma_start3A_79 = arith.constant 0 : i32
      %dma_start3A_80 = tpu.memref_slice %arg3[%run_scoped3A, %add3A, %dma_start3A_78, %dma_start3A_79] : memref<2x32x200x50xi32, #tpu.memory_space<hbm>> -> memref<1x1x40x50xi32, #tpu.memory_space<hbm>>
      %dma_start3A_81 = tpu.memref_squeeze %dma_start3A_80 : memref<1x1x40x50xi32, #tpu.memory_space<hbm>> -> memref<40x50xi32, #tpu.memory_space<hbm>>
      tpu.enqueue_dma source(%dma_start3A_81 : memref<40x50xi32, #tpu.memory_space<hbm>>) target(%arg6 : memref<40x50xi32, #tpu.memory_space<vmem>>) target_semaphore(%run_scoped3A_73 : memref<!tpu.dma_semaphore, #tpu.memory_space<semaphore_mem>>)
      %dma_wait3A = arith.constant 0 : i32
      %dma_wait3A_82 = arith.constant 0 : i32
      %dma_wait3A_83 = tpu.memref_slice %arg3[%run_scoped3A, %add3A, %dma_wait3A, %dma_wait3A_82] : memref<2x32x200x50xi32, #tpu.memory_space<hbm>> -> memref<1x1x40x50xi32, #tpu.memory_space<hbm>>
      %dma_wait3A_84 = tpu.memref_squeeze %dma_wait3A_83 : memref<1x1x40x50xi32, #tpu.memory_space<hbm>> -> memref<40x50xi32, #tpu.memory_space<hbm>>
      %dma_wait3A_85 = arith.constant 0 : i32
      %dma_wait3A_86 = arith.constant 0 : i32
      %dma_wait3A_87 = tpu.memref_slice %arg3[%run_scoped3A, %add3A, %dma_wait3A_85, %dma_wait3A_86] : memref<2x32x200x50xi32, #tpu.memory_space<hbm>> -> memref<1x1x40x50xi32, #tpu.memory_space<hbm>>
      %dma_wait3A_88 = tpu.memref_squeeze %dma_wait3A_87 : memref<1x1x40x50xi32, #tpu.memory_space<hbm>> -> memref<40x50xi32, #tpu.memory_space<hbm>>
      tpu.wait_dma2 semaphore(%run_scoped3A_73 : memref<!tpu.dma_semaphore, #tpu.memory_space<semaphore_mem>>) src(%dma_wait3A_88 : memref<40x50xi32, #tpu.memory_space<hbm>>) dst(%arg6 : memref<40x50xi32, #tpu.memory_space<vmem>>)
      tpu.yield
    }) : () -> ()
    %run_scoped3A_3 = arith.constant 1 : i32
    "tpu.region"() ({
      %run_scoped3A_73 = tpu.sem_alloc : memref<!tpu.dma_semaphore, #tpu.memory_space<semaphore_mem>>
      %dma_start3A_74 = arith.constant 0 : i32
      %dma_start3A_75 = arith.constant 0 : i32
      %dma_start3A_76 = tpu.memref_slice %arg3[%run_scoped3A_3, %add3A, %dma_start3A_74, %dma_start3A_75] : memref<2x32x200x50xi32, #tpu.memory_space<hbm>> -> memref<1x1x40x50xi32, #tpu.memory_space<hbm>>
      %dma_start3A_77 = tpu.memref_squeeze %dma_start3A_76 : memref<1x1x40x50xi32, #tpu.memory_space<hbm>> -> memref<40x50xi32, #tpu.memory_space<hbm>>
      %dma_start3A_78 = arith.constant 0 : i32
      %dma_start3A_79 = arith.constant 0 : i32
      %dma_start3A_80 = tpu.memref_slice %arg3[%run_scoped3A_3, %add3A, %dma_start3A_78, %dma_start3A_79] : memref<2x32x200x50xi32, #tpu.memory_space<hbm>> -> memref<1x1x40x50xi32, #tpu.memory_space<hbm>>
      %dma_start3A_81 = tpu.memref_squeeze %dma_start3A_80 : memref<1x1x40x50xi32, #tpu.memory_space<hbm>> -> memref<40x50xi32, #tpu.memory_space<hbm>>
      tpu.enqueue_dma source(%dma_start3A_81 : memref<40x50xi32, #tpu.memory_space<hbm>>) target(%arg7 : memref<40x50xi32, #tpu.memory_space<vmem>>) target_semaphore(%run_scoped3A_73 : memref<!tpu.dma_semaphore, #tpu.memory_space<semaphore_mem>>)
      %dma_wait3A = arith.constant 0 : i32
      %dma_wait3A_82 = arith.constant 0 : i32
      %dma_wait3A_83 = tpu.memref_slice %arg3[%run_scoped3A_3, %add3A, %dma_wait3A, %dma_wait3A_82] : memref<2x32x200x50xi32, #tpu.memory_space<hbm>> -> memref<1x1x40x50xi32, #tpu.memory_space<hbm>>
      %dma_wait3A_84 = tpu.memref_squeeze %dma_wait3A_83 : memref<1x1x40x50xi32, #tpu.memory_space<hbm>> -> memref<40x50xi32, #tpu.memory_space<hbm>>
      %dma_wait3A_85 = arith.constant 0 : i32
      %dma_wait3A_86 = arith.constant 0 : i32
      %dma_wait3A_87 = tpu.memref_slice %arg3[%run_scoped3A_3, %add3A, %dma_wait3A_85, %dma_wait3A_86] : memref<2x32x200x50xi32, #tpu.memory_space<hbm>> -> memref<1x1x40x50xi32, #tpu.memory_space<hbm>>
      %dma_wait3A_88 = tpu.memref_squeeze %dma_wait3A_87 : memref<1x1x40x50xi32, #tpu.memory_space<hbm>> -> memref<40x50xi32, #tpu.memory_space<hbm>>
      tpu.wait_dma2 semaphore(%run_scoped3A_73 : memref<!tpu.dma_semaphore, #tpu.memory_space<semaphore_mem>>) src(%dma_wait3A_88 : memref<40x50xi32, #tpu.memory_space<hbm>>) dst(%arg7 : memref<40x50xi32, #tpu.memory_space<vmem>>)
      tpu.yield
    }) : () -> ()
    %dma_start3A = arith.constant 0 : i32
    %dma_start3A_4 = arith.constant 0 : i32
    %dma_start3A_5 = arith.constant 0 : i32
    %dma_start3A_6 = arith.constant 0 : i32
    %dma_start3A_7 = arith.constant 0 : i32
    %dma_start3A_8 = tpu.memref_slice %arg8[%dma_start3A_4, %dma_start3A_6, %dma_start3A_7] : memref<5x50x128xf32, #tpu.memory_space<vmem>> -> memref<1x50x128xf32, #tpu.memory_space<vmem>>
    %dma_start3A_9 = tpu.memref_squeeze %dma_start3A_8 : memref<1x50x128xf32, #tpu.memory_space<vmem>> -> memref<50x128xf32, #tpu.memory_space<vmem>>
    %dma_start3A_10 = arith.constant 0 : i32
    %dma_start3A_11 = tpu.memref_slice %arg6[%dma_start3A, %dma_start3A_10] : memref<40x50xi32, #tpu.memory_space<vmem>> -> memref<1x50xi32, #tpu.memory_space<vmem>>
    %dma_start3A_12 = tpu.memref_squeeze %dma_start3A_11 : memref<1x50xi32, #tpu.memory_space<vmem>> -> memref<50xi32, #tpu.memory_space<vmem>>
    %dma_start3A_13 = arith.constant 0 : i32
    %dma_start3A_14 = arith.constant 0 : i32
    %dma_start3A_15 = tpu.memref_slice %arg2[%dma_start3A_13, %dma_start3A_14] : memref<10000x128xf32, #tpu.memory_space<hbm>> -> memref<10000x128xf32, #tpu.memory_space<hbm>>
    %dma_start3A_16 = tpu.memref_slice %arg10[%dma_start3A_5] : memref<5x!tpu.dma_semaphore, #tpu.memory_space<semaphore_mem>> -> memref<1x!tpu.dma_semaphore, #tpu.memory_space<semaphore_mem>>
    %dma_start3A_17 = tpu.memref_squeeze %dma_start3A_16 : memref<1x!tpu.dma_semaphore, #tpu.memory_space<semaphore_mem>> -> memref<!tpu.dma_semaphore, #tpu.memory_space<semaphore_mem>>
    tpu.enqueue_indirect_dma source(%dma_start3A_15 : memref<10000x128xf32, #tpu.memory_space<hbm>>) target(%dma_start3A_9 : memref<50x128xf32, #tpu.memory_space<vmem>>) offsets(%dma_start3A_12 : memref<50xi32, #tpu.memory_space<vmem>>) semaphore(%dma_start3A_17 : memref<!tpu.dma_semaphore, #tpu.memory_space<semaphore_mem>>)
    %dma_start3A_18 = arith.constant 1 : i32
    %dma_start3A_19 = arith.constant 1 : i32
    %dma_start3A_20 = arith.constant 1 : i32
    %dma_start3A_21 = arith.constant 0 : i32
    %dma_start3A_22 = arith.constant 0 : i32
    %dma_start3A_23 = tpu.memref_slice %arg8[%dma_start3A_19, %dma_start3A_21, %dma_start3A_22] : memref<5x50x128xf32, #tpu.memory_space<vmem>> -> memref<1x50x128xf32, #tpu.memory_space<vmem>>
    %dma_start3A_24 = tpu.memref_squeeze %dma_start3A_23 : memref<1x50x128xf32, #tpu.memory_space<vmem>> -> memref<50x128xf32, #tpu.memory_space<vmem>>
    %dma_start3A_25 = arith.constant 0 : i32
    %dma_start3A_26 = tpu.memref_slice %arg6[%dma_start3A_18, %dma_start3A_25] : memref<40x50xi32, #tpu.memory_space<vmem>> -> memref<1x50xi32, #tpu.memory_space<vmem>>
    %dma_start3A_27 = tpu.memref_squeeze %dma_start3A_26 : memref<1x50xi32, #tpu.memory_space<vmem>> -> memref<50xi32, #tpu.memory_space<vmem>>
    %dma_start3A_28 = arith.constant 0 : i32
    %dma_start3A_29 = arith.constant 0 : i32
    %dma_start3A_30 = tpu.memref_slice %arg2[%dma_start3A_28, %dma_start3A_29] : memref<10000x128xf32, #tpu.memory_space<hbm>> -> memref<10000x128xf32, #tpu.memory_space<hbm>>
    %dma_start3A_31 = tpu.memref_slice %arg10[%dma_start3A_20] : memref<5x!tpu.dma_semaphore, #tpu.memory_space<semaphore_mem>> -> memref<1x!tpu.dma_semaphore, #tpu.memory_space<semaphore_mem>>
    %dma_start3A_32 = tpu.memref_squeeze %dma_start3A_31 : memref<1x!tpu.dma_semaphore, #tpu.memory_space<semaphore_mem>> -> memref<!tpu.dma_semaphore, #tpu.memory_space<semaphore_mem>>
    tpu.enqueue_indirect_dma source(%dma_start3A_30 : memref<10000x128xf32, #tpu.memory_space<hbm>>) target(%dma_start3A_24 : memref<50x128xf32, #tpu.memory_space<vmem>>) offsets(%dma_start3A_27 : memref<50xi32, #tpu.memory_space<vmem>>) semaphore(%dma_start3A_32 : memref<!tpu.dma_semaphore, #tpu.memory_space<semaphore_mem>>)
    %dma_start3A_33 = arith.constant 2 : i32
    %dma_start3A_34 = arith.constant 2 : i32
    %dma_start3A_35 = arith.constant 2 : i32
    %dma_start3A_36 = arith.constant 0 : i32
    %dma_start3A_37 = arith.constant 0 : i32
    %dma_start3A_38 = tpu.memref_slice %arg8[%dma_start3A_34, %dma_start3A_36, %dma_start3A_37] : memref<5x50x128xf32, #tpu.memory_space<vmem>> -> memref<1x50x128xf32, #tpu.memory_space<vmem>>
    %dma_start3A_39 = tpu.memref_squeeze %dma_start3A_38 : memref<1x50x128xf32, #tpu.memory_space<vmem>> -> memref<50x128xf32, #tpu.memory_space<vmem>>
    %dma_start3A_40 = arith.constant 0 : i32
    %dma_start3A_41 = tpu.memref_slice %arg6[%dma_start3A_33, %dma_start3A_40] : memref<40x50xi32, #tpu.memory_space<vmem>> -> memref<1x50xi32, #tpu.memory_space<vmem>>
    %dma_start3A_42 = tpu.memref_squeeze %dma_start3A_41 : memref<1x50xi32, #tpu.memory_space<vmem>> -> memref<50xi32, #tpu.memory_space<vmem>>
    %dma_start3A_43 = arith.constant 0 : i32
    %dma_start3A_44 = arith.constant 0 : i32
    %dma_start3A_45 = tpu.memref_slice %arg2[%dma_start3A_43, %dma_start3A_44] : memref<10000x128xf32, #tpu.memory_space<hbm>> -> memref<10000x128xf32, #tpu.memory_space<hbm>>
    %dma_start3A_46 = tpu.memref_slice %arg10[%dma_start3A_35] : memref<5x!tpu.dma_semaphore, #tpu.memory_space<semaphore_mem>> -> memref<1x!tpu.dma_semaphore, #tpu.memory_space<semaphore_mem>>
    %dma_start3A_47 = tpu.memref_squeeze %dma_start3A_46 : memref<1x!tpu.dma_semaphore, #tpu.memory_space<semaphore_mem>> -> memref<!tpu.dma_semaphore, #tpu.memory_space<semaphore_mem>>
    tpu.enqueue_indirect_dma source(%dma_start3A_45 : memref<10000x128xf32, #tpu.memory_space<hbm>>) target(%dma_start3A_39 : memref<50x128xf32, #tpu.memory_space<vmem>>) offsets(%dma_start3A_42 : memref<50xi32, #tpu.memory_space<vmem>>) semaphore(%dma_start3A_47 : memref<!tpu.dma_semaphore, #tpu.memory_space<semaphore_mem>>)
    %dma_start3A_48 = arith.constant 3 : i32
    %dma_start3A_49 = arith.constant 3 : i32
    %dma_start3A_50 = arith.constant 3 : i32
    %dma_start3A_51 = arith.constant 0 : i32
    %dma_start3A_52 = arith.constant 0 : i32
    %dma_start3A_53 = tpu.memref_slice %arg8[%dma_start3A_49, %dma_start3A_51, %dma_start3A_52] : memref<5x50x128xf32, #tpu.memory_space<vmem>> -> memref<1x50x128xf32, #tpu.memory_space<vmem>>
    %dma_start3A_54 = tpu.memref_squeeze %dma_start3A_53 : memref<1x50x128xf32, #tpu.memory_space<vmem>> -> memref<50x128xf32, #tpu.memory_space<vmem>>
    %dma_start3A_55 = arith.constant 0 : i32
    %dma_start3A_56 = tpu.memref_slice %arg6[%dma_start3A_48, %dma_start3A_55] : memref<40x50xi32, #tpu.memory_space<vmem>> -> memref<1x50xi32, #tpu.memory_space<vmem>>
    %dma_start3A_57 = tpu.memref_squeeze %dma_start3A_56 : memref<1x50xi32, #tpu.memory_space<vmem>> -> memref<50xi32, #tpu.memory_space<vmem>>
    %dma_start3A_58 = arith.constant 0 : i32
    %dma_start3A_59 = arith.constant 0 : i32
    %dma_start3A_60 = tpu.memref_slice %arg2[%dma_start3A_58, %dma_start3A_59] : memref<10000x128xf32, #tpu.memory_space<hbm>> -> memref<10000x128xf32, #tpu.memory_space<hbm>>
    %dma_start3A_61 = tpu.memref_slice %arg10[%dma_start3A_50] : memref<5x!tpu.dma_semaphore, #tpu.memory_space<semaphore_mem>> -> memref<1x!tpu.dma_semaphore, #tpu.memory_space<semaphore_mem>>
    %dma_start3A_62 = tpu.memref_squeeze %dma_start3A_61 : memref<1x!tpu.dma_semaphore, #tpu.memory_space<semaphore_mem>> -> memref<!tpu.dma_semaphore, #tpu.memory_space<semaphore_mem>>
    tpu.enqueue_indirect_dma source(%dma_start3A_60 : memref<10000x128xf32, #tpu.memory_space<hbm>>) target(%dma_start3A_54 : memref<50x128xf32, #tpu.memory_space<vmem>>) offsets(%dma_start3A_57 : memref<50xi32, #tpu.memory_space<vmem>>) semaphore(%dma_start3A_62 : memref<!tpu.dma_semaphore, #tpu.memory_space<semaphore_mem>>)
    %barrier3A = arith.constant 0 : index
    tpu.barrier barrier_id(%barrier3A)
    %scan3A = arith.constant 0 : i32
    %scan3A_63 = arith.constant 0 : i32
    %scan3A_64 = arith.constant 5 : i32
    %scan3A_65 = arith.addi %scan3A_63, %scan3A_64 : i32
    %scan3A_66 = arith.constant 1 : i32
    scf.for %scan3A_73 = %scan3A_63 to %scan3A_65 step %scan3A_66  : i32 {
      %scan3A_74 = arith.constant 0 : i32
      %scan3A_75 = arith.constant 0 : i32
      %scan3A_76 = arith.constant 40 : i32
      %scan3A_77 = arith.addi %scan3A_75, %scan3A_76 : i32
      %scan3A_78 = arith.constant 1 : i32
      scf.for %scan3A_158 = %scan3A_75 to %scan3A_77 step %scan3A_78  : i32 {
        %rem3A = arith.constant 5 : i32
        %rem3A_159 = arith.remsi %scan3A_158, %rem3A : i32
        %add3A_160 = arith.constant 5 : i32
        %add3A_161 = arith.addi %scan3A_158, %add3A_160 : i32
        %sub3A = arith.constant 1 : i32
        %sub3A_162 = arith.subi %add3A_161, %sub3A : i32
        %rem3A_163 = arith.constant 5 : i32
        %rem3A_164 = arith.remsi %sub3A_162, %rem3A_163 : i32
        %add3A_165 = arith.constant 5 : i32
        %add3A_166 = arith.addi %scan3A_158, %add3A_165 : i32
        %sub3A_167 = arith.constant 1 : i32
        %sub3A_168 = arith.subi %add3A_166, %sub3A_167 : i32
        %ge3A = arith.constant 1 : i32
        %ge3A_169 = arith.cmpi sge, %scan3A_158, %ge3A : i32
        %lt3A_170 = arith.constant 40 : i32
        %lt3A_171 = arith.cmpi slt, %sub3A_168, %lt3A_170 : i32
        %and3A = arith.andi %ge3A_169, %lt3A_171 : i1
        %convert_element_type3A_172 = arith.extui %and3A : i1 to i32
        %cond3A_173 = arith.constant 0 : i32
        %cond3A_174 = arith.cmpi ne, %convert_element_type3A_172, %cond3A_173 : i32
        scf.if %cond3A_174 {
          %sub3A_204 = arith.constant 1 : i32
          %sub3A_205 = arith.subi %scan3A_158, %sub3A_204 : i32
          %dma_wait3A_206 = arith.constant 0 : i32
          %dma_wait3A_207 = arith.constant 0 : i32
          %dma_wait3A_208 = tpu.memref_slice %arg8[%rem3A_164, %dma_wait3A_206, %dma_wait3A_207] : memref<5x50x128xf32, #tpu.memory_space<vmem>> -> memref<1x50x128xf32, #tpu.memory_space<vmem>>
          %dma_wait3A_209 = tpu.memref_squeeze %dma_wait3A_208 : memref<1x50x128xf32, #tpu.memory_space<vmem>> -> memref<50x128xf32, #tpu.memory_space<vmem>>
          %dma_wait3A_210 = arith.constant 0 : i32
          %dma_wait3A_211 = tpu.memref_slice %arg7[%sub3A_205, %dma_wait3A_210] : memref<40x50xi32, #tpu.memory_space<vmem>> -> memref<1x50xi32, #tpu.memory_space<vmem>>
          %dma_wait3A_212 = tpu.memref_squeeze %dma_wait3A_211 : memref<1x50xi32, #tpu.memory_space<vmem>> -> memref<50xi32, #tpu.memory_space<vmem>>
          %dma_wait3A_213 = arith.constant 0 : i32
          %dma_wait3A_214 = arith.constant 0 : i32
          %dma_wait3A_215 = tpu.memref_slice %arg9[%dma_wait3A_213, %dma_wait3A_214] : memref<10000x128xf32, #tpu.memory_space<vmem_shared>> -> memref<10000x128xf32, #tpu.memory_space<vmem_shared>>
          %dma_wait3A_216 = tpu.memref_slice %arg11[%rem3A_164] : memref<5x!tpu.dma_semaphore, #tpu.memory_space<semaphore_mem>> -> memref<1x!tpu.dma_semaphore, #tpu.memory_space<semaphore_mem>>
          %dma_wait3A_217 = tpu.memref_squeeze %dma_wait3A_216 : memref<1x!tpu.dma_semaphore, #tpu.memory_space<semaphore_mem>> -> memref<!tpu.dma_semaphore, #tpu.memory_space<semaphore_mem>>
          tpu.wait_indirect_dma semaphore(%dma_wait3A_217 : memref<!tpu.dma_semaphore, #tpu.memory_space<semaphore_mem>>) src(%dma_wait3A_209 : memref<50x128xf32, #tpu.memory_space<vmem>>) dst(%dma_wait3A_215 : memref<10000x128xf32, #tpu.memory_space<vmem_shared>>)
        } else {
        }
        %lt3A_175 = arith.constant 40 : i32
        %lt3A_176 = arith.cmpi slt, %sub3A_168, %lt3A_175 : i32
        %convert_element_type3A_177 = arith.extui %lt3A_176 : i1 to i32
        %cond3A_178 = arith.constant 0 : i32
        %cond3A_179 = arith.cmpi ne, %convert_element_type3A_177, %cond3A_178 : i32
        scf.if %cond3A_179 {
          %dma_start3A_204 = arith.constant 0 : i32
          %dma_start3A_205 = arith.constant 0 : i32
          %dma_start3A_206 = tpu.memref_slice %arg8[%rem3A_164, %dma_start3A_204, %dma_start3A_205] : memref<5x50x128xf32, #tpu.memory_space<vmem>> -> memref<1x50x128xf32, #tpu.memory_space<vmem>>
          %dma_start3A_207 = tpu.memref_squeeze %dma_start3A_206 : memref<1x50x128xf32, #tpu.memory_space<vmem>> -> memref<50x128xf32, #tpu.memory_space<vmem>>
          %dma_start3A_208 = arith.constant 0 : i32
          %dma_start3A_209 = tpu.memref_slice %arg6[%sub3A_168, %dma_start3A_208] : memref<40x50xi32, #tpu.memory_space<vmem>> -> memref<1x50xi32, #tpu.memory_space<vmem>>
          %dma_start3A_210 = tpu.memref_squeeze %dma_start3A_209 : memref<1x50xi32, #tpu.memory_space<vmem>> -> memref<50xi32, #tpu.memory_space<vmem>>
          %dma_start3A_211 = arith.constant 0 : i32
          %dma_start3A_212 = arith.constant 0 : i32
          %dma_start3A_213 = tpu.memref_slice %arg2[%dma_start3A_211, %dma_start3A_212] : memref<10000x128xf32, #tpu.memory_space<hbm>> -> memref<10000x128xf32, #tpu.memory_space<hbm>>
          %dma_start3A_214 = tpu.memref_slice %arg10[%rem3A_164] : memref<5x!tpu.dma_semaphore, #tpu.memory_space<semaphore_mem>> -> memref<1x!tpu.dma_semaphore, #tpu.memory_space<semaphore_mem>>
          %dma_start3A_215 = tpu.memref_squeeze %dma_start3A_214 : memref<1x!tpu.dma_semaphore, #tpu.memory_space<semaphore_mem>> -> memref<!tpu.dma_semaphore, #tpu.memory_space<semaphore_mem>>
          tpu.enqueue_indirect_dma source(%dma_start3A_213 : memref<10000x128xf32, #tpu.memory_space<hbm>>) target(%dma_start3A_207 : memref<50x128xf32, #tpu.memory_space<vmem>>) offsets(%dma_start3A_210 : memref<50xi32, #tpu.memory_space<vmem>>) semaphore(%dma_start3A_215 : memref<!tpu.dma_semaphore, #tpu.memory_space<semaphore_mem>>)
        } else {
        }
        %dma_wait3A_180 = arith.constant 0 : i32
        %dma_wait3A_181 = arith.constant 0 : i32
        %dma_wait3A_182 = tpu.memref_slice %arg8[%rem3A_159, %dma_wait3A_180, %dma_wait3A_181] : memref<5x50x128xf32, #tpu.memory_space<vmem>> -> memref<1x50x128xf32, #tpu.memory_space<vmem>>
        %dma_wait3A_183 = tpu.memref_squeeze %dma_wait3A_182 : memref<1x50x128xf32, #tpu.memory_space<vmem>> -> memref<50x128xf32, #tpu.memory_space<vmem>>
        %dma_wait3A_184 = arith.constant 0 : i32
        %dma_wait3A_185 = tpu.memref_slice %arg6[%scan3A_158, %dma_wait3A_184] : memref<40x50xi32, #tpu.memory_space<vmem>> -> memref<1x50xi32, #tpu.memory_space<vmem>>
        %dma_wait3A_186 = tpu.memref_squeeze %dma_wait3A_185 : memref<1x50xi32, #tpu.memory_space<vmem>> -> memref<50xi32, #tpu.memory_space<vmem>>
        %dma_wait3A_187 = arith.constant 0 : i32
        %dma_wait3A_188 = arith.constant 0 : i32
        %dma_wait3A_189 = tpu.memref_slice %arg2[%dma_wait3A_187, %dma_wait3A_188] : memref<10000x128xf32, #tpu.memory_space<hbm>> -> memref<10000x128xf32, #tpu.memory_space<hbm>>
        %dma_wait3A_190 = tpu.memref_slice %arg10[%rem3A_159] : memref<5x!tpu.dma_semaphore, #tpu.memory_space<semaphore_mem>> -> memref<1x!tpu.dma_semaphore, #tpu.memory_space<semaphore_mem>>
        %dma_wait3A_191 = tpu.memref_squeeze %dma_wait3A_190 : memref<1x!tpu.dma_semaphore, #tpu.memory_space<semaphore_mem>> -> memref<!tpu.dma_semaphore, #tpu.memory_space<semaphore_mem>>
        tpu.wait_indirect_dma semaphore(%dma_wait3A_191 : memref<!tpu.dma_semaphore, #tpu.memory_space<semaphore_mem>>) src(%dma_wait3A_189 : memref<10000x128xf32, #tpu.memory_space<hbm>>) dst(%dma_wait3A_183 : memref<50x128xf32, #tpu.memory_space<vmem>>)
        %dma_start3A_192 = arith.constant 0 : i32
        %dma_start3A_193 = arith.constant 0 : i32
        %dma_start3A_194 = tpu.memref_slice %arg8[%rem3A_159, %dma_start3A_192, %dma_start3A_193] : memref<5x50x128xf32, #tpu.memory_space<vmem>> -> memref<1x50x128xf32, #tpu.memory_space<vmem>>
        %dma_start3A_195 = tpu.memref_squeeze %dma_start3A_194 : memref<1x50x128xf32, #tpu.memory_space<vmem>> -> memref<50x128xf32, #tpu.memory_space<vmem>>
        %dma_start3A_196 = arith.constant 0 : i32
        %dma_start3A_197 = tpu.memref_slice %arg7[%scan3A_158, %dma_start3A_196] : memref<40x50xi32, #tpu.memory_space<vmem>> -> memref<1x50xi32, #tpu.memory_space<vmem>>
        %dma_start3A_198 = tpu.memref_squeeze %dma_start3A_197 : memref<1x50xi32, #tpu.memory_space<vmem>> -> memref<50xi32, #tpu.memory_space<vmem>>
        %dma_start3A_199 = arith.constant 0 : i32
        %dma_start3A_200 = arith.constant 0 : i32
        %dma_start3A_201 = tpu.memref_slice %arg9[%dma_start3A_199, %dma_start3A_200] : memref<10000x128xf32, #tpu.memory_space<vmem_shared>> -> memref<10000x128xf32, #tpu.memory_space<vmem_shared>>
        %dma_start3A_202 = tpu.memref_slice %arg11[%rem3A_159] : memref<5x!tpu.dma_semaphore, #tpu.memory_space<semaphore_mem>> -> memref<1x!tpu.dma_semaphore, #tpu.memory_space<semaphore_mem>>
        %dma_start3A_203 = tpu.memref_squeeze %dma_start3A_202 : memref<1x!tpu.dma_semaphore, #tpu.memory_space<semaphore_mem>> -> memref<!tpu.dma_semaphore, #tpu.memory_space<semaphore_mem>>
        tpu.enqueue_indirect_dma source(%dma_start3A_195 : memref<50x128xf32, #tpu.memory_space<vmem>>) target(%dma_start3A_201 : memref<10000x128xf32, #tpu.memory_space<vmem_shared>>) offsets(%dma_start3A_198 : memref<50xi32, #tpu.memory_space<vmem>>) semaphore(%dma_start3A_203 : memref<!tpu.dma_semaphore, #tpu.memory_space<semaphore_mem>>) {add = true}
      }
      %scan3A_79 = arith.constant 40 : i32
      %dma_wait3A = arith.constant 0 : i32
      %dma_wait3A_80 = arith.constant 35 : i32
      %dma_wait3A_81 = arith.constant 0 : i32
      %dma_wait3A_82 = arith.constant 0 : i32
      %dma_wait3A_83 = arith.constant 0 : i32
      %dma_wait3A_84 = tpu.memref_slice %arg8[%dma_wait3A, %dma_wait3A_82, %dma_wait3A_83] : memref<5x50x128xf32, #tpu.memory_space<vmem>> -> memref<1x50x128xf32, #tpu.memory_space<vmem>>
      %dma_wait3A_85 = tpu.memref_squeeze %dma_wait3A_84 : memref<1x50x128xf32, #tpu.memory_space<vmem>> -> memref<50x128xf32, #tpu.memory_space<vmem>>
      %dma_wait3A_86 = arith.constant 0 : i32
      %dma_wait3A_87 = tpu.memref_slice %arg7[%dma_wait3A_80, %dma_wait3A_86] : memref<40x50xi32, #tpu.memory_space<vmem>> -> memref<1x50xi32, #tpu.memory_space<vmem>>
      %dma_wait3A_88 = tpu.memref_squeeze %dma_wait3A_87 : memref<1x50xi32, #tpu.memory_space<vmem>> -> memref<50xi32, #tpu.memory_space<vmem>>
      %dma_wait3A_89 = arith.constant 0 : i32
      %dma_wait3A_90 = arith.constant 0 : i32
      %dma_wait3A_91 = tpu.memref_slice %arg9[%dma_wait3A_89, %dma_wait3A_90] : memref<10000x128xf32, #tpu.memory_space<vmem_shared>> -> memref<10000x128xf32, #tpu.memory_space<vmem_shared>>
      %dma_wait3A_92 = tpu.memref_slice %arg11[%dma_wait3A_81] : memref<5x!tpu.dma_semaphore, #tpu.memory_space<semaphore_mem>> -> memref<1x!tpu.dma_semaphore, #tpu.memory_space<semaphore_mem>>
      %dma_wait3A_93 = tpu.memref_squeeze %dma_wait3A_92 : memref<1x!tpu.dma_semaphore, #tpu.memory_space<semaphore_mem>> -> memref<!tpu.dma_semaphore, #tpu.memory_space<semaphore_mem>>
      tpu.wait_indirect_dma semaphore(%dma_wait3A_93 : memref<!tpu.dma_semaphore, #tpu.memory_space<semaphore_mem>>) src(%dma_wait3A_85 : memref<50x128xf32, #tpu.memory_space<vmem>>) dst(%dma_wait3A_91 : memref<10000x128xf32, #tpu.memory_space<vmem_shared>>)
      %dma_wait3A_94 = arith.constant 1 : i32
      %dma_wait3A_95 = arith.constant 36 : i32
      %dma_wait3A_96 = arith.constant 1 : i32
      %dma_wait3A_97 = arith.constant 0 : i32
      %dma_wait3A_98 = arith.constant 0 : i32
      %dma_wait3A_99 = tpu.memref_slice %arg8[%dma_wait3A_94, %dma_wait3A_97, %dma_wait3A_98] : memref<5x50x128xf32, #tpu.memory_space<vmem>> -> memref<1x50x128xf32, #tpu.memory_space<vmem>>
      %dma_wait3A_100 = tpu.memref_squeeze %dma_wait3A_99 : memref<1x50x128xf32, #tpu.memory_space<vmem>> -> memref<50x128xf32, #tpu.memory_space<vmem>>
      %dma_wait3A_101 = arith.constant 0 : i32
      %dma_wait3A_102 = tpu.memref_slice %arg7[%dma_wait3A_95, %dma_wait3A_101] : memref<40x50xi32, #tpu.memory_space<vmem>> -> memref<1x50xi32, #tpu.memory_space<vmem>>
      %dma_wait3A_103 = tpu.memref_squeeze %dma_wait3A_102 : memref<1x50xi32, #tpu.memory_space<vmem>> -> memref<50xi32, #tpu.memory_space<vmem>>
      %dma_wait3A_104 = arith.constant 0 : i32
      %dma_wait3A_105 = arith.constant 0 : i32
      %dma_wait3A_106 = tpu.memref_slice %arg9[%dma_wait3A_104, %dma_wait3A_105] : memref<10000x128xf32, #tpu.memory_space<vmem_shared>> -> memref<10000x128xf32, #tpu.memory_space<vmem_shared>>
      %dma_wait3A_107 = tpu.memref_slice %arg11[%dma_wait3A_96] : memref<5x!tpu.dma_semaphore, #tpu.memory_space<semaphore_mem>> -> memref<1x!tpu.dma_semaphore, #tpu.memory_space<semaphore_mem>>
      %dma_wait3A_108 = tpu.memref_squeeze %dma_wait3A_107 : memref<1x!tpu.dma_semaphore, #tpu.memory_space<semaphore_mem>> -> memref<!tpu.dma_semaphore, #tpu.memory_space<semaphore_mem>>
      tpu.wait_indirect_dma semaphore(%dma_wait3A_108 : memref<!tpu.dma_semaphore, #tpu.memory_space<semaphore_mem>>) src(%dma_wait3A_100 : memref<50x128xf32, #tpu.memory_space<vmem>>) dst(%dma_wait3A_106 : memref<10000x128xf32, #tpu.memory_space<vmem_shared>>)
      %dma_wait3A_109 = arith.constant 2 : i32
      %dma_wait3A_110 = arith.constant 37 : i32
      %dma_wait3A_111 = arith.constant 2 : i32
      %dma_wait3A_112 = arith.constant 0 : i32
      %dma_wait3A_113 = arith.constant 0 : i32
      %dma_wait3A_114 = tpu.memref_slice %arg8[%dma_wait3A_109, %dma_wait3A_112, %dma_wait3A_113] : memref<5x50x128xf32, #tpu.memory_space<vmem>> -> memref<1x50x128xf32, #tpu.memory_space<vmem>>
      %dma_wait3A_115 = tpu.memref_squeeze %dma_wait3A_114 : memref<1x50x128xf32, #tpu.memory_space<vmem>> -> memref<50x128xf32, #tpu.memory_space<vmem>>
      %dma_wait3A_116 = arith.constant 0 : i32
      %dma_wait3A_117 = tpu.memref_slice %arg7[%dma_wait3A_110, %dma_wait3A_116] : memref<40x50xi32, #tpu.memory_space<vmem>> -> memref<1x50xi32, #tpu.memory_space<vmem>>
      %dma_wait3A_118 = tpu.memref_squeeze %dma_wait3A_117 : memref<1x50xi32, #tpu.memory_space<vmem>> -> memref<50xi32, #tpu.memory_space<vmem>>
      %dma_wait3A_119 = arith.constant 0 : i32
      %dma_wait3A_120 = arith.constant 0 : i32
      %dma_wait3A_121 = tpu.memref_slice %arg9[%dma_wait3A_119, %dma_wait3A_120] : memref<10000x128xf32, #tpu.memory_space<vmem_shared>> -> memref<10000x128xf32, #tpu.memory_space<vmem_shared>>
      %dma_wait3A_122 = tpu.memref_slice %arg11[%dma_wait3A_111] : memref<5x!tpu.dma_semaphore, #tpu.memory_space<semaphore_mem>> -> memref<1x!tpu.dma_semaphore, #tpu.memory_space<semaphore_mem>>
      %dma_wait3A_123 = tpu.memref_squeeze %dma_wait3A_122 : memref<1x!tpu.dma_semaphore, #tpu.memory_space<semaphore_mem>> -> memref<!tpu.dma_semaphore, #tpu.memory_space<semaphore_mem>>
      tpu.wait_indirect_dma semaphore(%dma_wait3A_123 : memref<!tpu.dma_semaphore, #tpu.memory_space<semaphore_mem>>) src(%dma_wait3A_115 : memref<50x128xf32, #tpu.memory_space<vmem>>) dst(%dma_wait3A_121 : memref<10000x128xf32, #tpu.memory_space<vmem_shared>>)
      %dma_wait3A_124 = arith.constant 3 : i32
      %dma_wait3A_125 = arith.constant 38 : i32
      %dma_wait3A_126 = arith.constant 3 : i32
      %dma_wait3A_127 = arith.constant 0 : i32
      %dma_wait3A_128 = arith.constant 0 : i32
      %dma_wait3A_129 = tpu.memref_slice %arg8[%dma_wait3A_124, %dma_wait3A_127, %dma_wait3A_128] : memref<5x50x128xf32, #tpu.memory_space<vmem>> -> memref<1x50x128xf32, #tpu.memory_space<vmem>>
      %dma_wait3A_130 = tpu.memref_squeeze %dma_wait3A_129 : memref<1x50x128xf32, #tpu.memory_space<vmem>> -> memref<50x128xf32, #tpu.memory_space<vmem>>
      %dma_wait3A_131 = arith.constant 0 : i32
      %dma_wait3A_132 = tpu.memref_slice %arg7[%dma_wait3A_125, %dma_wait3A_131] : memref<40x50xi32, #tpu.memory_space<vmem>> -> memref<1x50xi32, #tpu.memory_space<vmem>>
      %dma_wait3A_133 = tpu.memref_squeeze %dma_wait3A_132 : memref<1x50xi32, #tpu.memory_space<vmem>> -> memref<50xi32, #tpu.memory_space<vmem>>
      %dma_wait3A_134 = arith.constant 0 : i32
      %dma_wait3A_135 = arith.constant 0 : i32
      %dma_wait3A_136 = tpu.memref_slice %arg9[%dma_wait3A_134, %dma_wait3A_135] : memref<10000x128xf32, #tpu.memory_space<vmem_shared>> -> memref<10000x128xf32, #tpu.memory_space<vmem_shared>>
      %dma_wait3A_137 = tpu.memref_slice %arg11[%dma_wait3A_126] : memref<5x!tpu.dma_semaphore, #tpu.memory_space<semaphore_mem>> -> memref<1x!tpu.dma_semaphore, #tpu.memory_space<semaphore_mem>>
      %dma_wait3A_138 = tpu.memref_squeeze %dma_wait3A_137 : memref<1x!tpu.dma_semaphore, #tpu.memory_space<semaphore_mem>> -> memref<!tpu.dma_semaphore, #tpu.memory_space<semaphore_mem>>
      tpu.wait_indirect_dma semaphore(%dma_wait3A_138 : memref<!tpu.dma_semaphore, #tpu.memory_space<semaphore_mem>>) src(%dma_wait3A_130 : memref<50x128xf32, #tpu.memory_space<vmem>>) dst(%dma_wait3A_136 : memref<10000x128xf32, #tpu.memory_space<vmem_shared>>)
      %dma_wait3A_139 = arith.constant 4 : i32
      %dma_wait3A_140 = arith.constant 39 : i32
      %dma_wait3A_141 = arith.constant 4 : i32
      %dma_wait3A_142 = arith.constant 0 : i32
      %dma_wait3A_143 = arith.constant 0 : i32
      %dma_wait3A_144 = tpu.memref_slice %arg8[%dma_wait3A_139, %dma_wait3A_142, %dma_wait3A_143] : memref<5x50x128xf32, #tpu.memory_space<vmem>> -> memref<1x50x128xf32, #tpu.memory_space<vmem>>
      %dma_wait3A_145 = tpu.memref_squeeze %dma_wait3A_144 : memref<1x50x128xf32, #tpu.memory_space<vmem>> -> memref<50x128xf32, #tpu.memory_space<vmem>>
      %dma_wait3A_146 = arith.constant 0 : i32
      %dma_wait3A_147 = tpu.memref_slice %arg7[%dma_wait3A_140, %dma_wait3A_146] : memref<40x50xi32, #tpu.memory_space<vmem>> -> memref<1x50xi32, #tpu.memory_space<vmem>>
      %dma_wait3A_148 = tpu.memref_squeeze %dma_wait3A_147 : memref<1x50xi32, #tpu.memory_space<vmem>> -> memref<50xi32, #tpu.memory_space<vmem>>
      %dma_wait3A_149 = arith.constant 0 : i32
      %dma_wait3A_150 = arith.constant 0 : i32
      %dma_wait3A_151 = tpu.memref_slice %arg9[%dma_wait3A_149, %dma_wait3A_150] : memref<10000x128xf32, #tpu.memory_space<vmem_shared>> -> memref<10000x128xf32, #tpu.memory_space<vmem_shared>>
      %dma_wait3A_152 = tpu.memref_slice %arg11[%dma_wait3A_141] : memref<5x!tpu.dma_semaphore, #tpu.memory_space<semaphore_mem>> -> memref<1x!tpu.dma_semaphore, #tpu.memory_space<semaphore_mem>>
      %dma_wait3A_153 = tpu.memref_squeeze %dma_wait3A_152 : memref<1x!tpu.dma_semaphore, #tpu.memory_space<semaphore_mem>> -> memref<!tpu.dma_semaphore, #tpu.memory_space<semaphore_mem>>
      tpu.wait_indirect_dma semaphore(%dma_wait3A_153 : memref<!tpu.dma_semaphore, #tpu.memory_space<semaphore_mem>>) src(%dma_wait3A_145 : memref<50x128xf32, #tpu.memory_space<vmem>>) dst(%dma_wait3A_151 : memref<10000x128xf32, #tpu.memory_space<vmem_shared>>)
      %add3A_154 = arith.constant 1 : i32
      %add3A_155 = arith.addi %scan3A_73, %add3A_154 : i32
      %lt3A = arith.constant 5 : i32
      %lt3A_156 = arith.cmpi slt, %add3A_155, %lt3A : i32
      %convert_element_type3A = arith.extui %lt3A_156 : i1 to i32
      %cond3A = arith.constant 0 : i32
      %cond3A_157 = arith.cmpi ne, %convert_element_type3A, %cond3A : i32
      scf.if %cond3A_157 {
        %add3A_158 = arith.constant 1 : i32
        %add3A_159 = arith.addi %scan3A_73, %add3A_158 : i32
        %mul3A_160 = arith.constant 40 : i32
        %mul3A_161 = arith.muli %add3A_159, %mul3A_160 : i32
        %run_scoped3A_162 = arith.constant 0 : i32
        "tpu.region"() ({
          %run_scoped3A_226 = tpu.sem_alloc : memref<!tpu.dma_semaphore, #tpu.memory_space<semaphore_mem>>
          %dma_start3A_227 = arith.constant 0 : i32
          %dma_start3A_228 = tpu.memref_slice %arg3[%run_scoped3A_162, %add3A, %mul3A_161, %dma_start3A_227] : memref<2x32x200x50xi32, #tpu.memory_space<hbm>> -> memref<1x1x40x50xi32, #tpu.memory_space<hbm>>
          %dma_start3A_229 = tpu.memref_squeeze %dma_start3A_228 : memref<1x1x40x50xi32, #tpu.memory_space<hbm>> -> memref<40x50xi32, #tpu.memory_space<hbm>>
          %dma_start3A_230 = arith.constant 0 : i32
          %dma_start3A_231 = tpu.memref_slice %arg3[%run_scoped3A_162, %add3A, %mul3A_161, %dma_start3A_230] : memref<2x32x200x50xi32, #tpu.memory_space<hbm>> -> memref<1x1x40x50xi32, #tpu.memory_space<hbm>>
          %dma_start3A_232 = tpu.memref_squeeze %dma_start3A_231 : memref<1x1x40x50xi32, #tpu.memory_space<hbm>> -> memref<40x50xi32, #tpu.memory_space<hbm>>
          tpu.enqueue_dma source(%dma_start3A_232 : memref<40x50xi32, #tpu.memory_space<hbm>>) target(%arg6 : memref<40x50xi32, #tpu.memory_space<vmem>>) target_semaphore(%run_scoped3A_226 : memref<!tpu.dma_semaphore, #tpu.memory_space<semaphore_mem>>)
          %dma_wait3A_233 = arith.constant 0 : i32
          %dma_wait3A_234 = tpu.memref_slice %arg3[%run_scoped3A_162, %add3A, %mul3A_161, %dma_wait3A_233] : memref<2x32x200x50xi32, #tpu.memory_space<hbm>> -> memref<1x1x40x50xi32, #tpu.memory_space<hbm>>
          %dma_wait3A_235 = tpu.memref_squeeze %dma_wait3A_234 : memref<1x1x40x50xi32, #tpu.memory_space<hbm>> -> memref<40x50xi32, #tpu.memory_space<hbm>>
          %dma_wait3A_236 = arith.constant 0 : i32
          %dma_wait3A_237 = tpu.memref_slice %arg3[%run_scoped3A_162, %add3A, %mul3A_161, %dma_wait3A_236] : memref<2x32x200x50xi32, #tpu.memory_space<hbm>> -> memref<1x1x40x50xi32, #tpu.memory_space<hbm>>
          %dma_wait3A_238 = tpu.memref_squeeze %dma_wait3A_237 : memref<1x1x40x50xi32, #tpu.memory_space<hbm>> -> memref<40x50xi32, #tpu.memory_space<hbm>>
          tpu.wait_dma2 semaphore(%run_scoped3A_226 : memref<!tpu.dma_semaphore, #tpu.memory_space<semaphore_mem>>) src(%dma_wait3A_238 : memref<40x50xi32, #tpu.memory_space<hbm>>) dst(%arg6 : memref<40x50xi32, #tpu.memory_space<vmem>>)
          tpu.yield
        }) : () -> ()
        %mul3A_163 = arith.constant 40 : i32
        %mul3A_164 = arith.muli %add3A_159, %mul3A_163 : i32
        %run_scoped3A_165 = arith.constant 1 : i32
        "tpu.region"() ({
          %run_scoped3A_226 = tpu.sem_alloc : memref<!tpu.dma_semaphore, #tpu.memory_space<semaphore_mem>>
          %dma_start3A_227 = arith.constant 0 : i32
          %dma_start3A_228 = tpu.memref_slice %arg3[%run_scoped3A_165, %add3A, %mul3A_164, %dma_start3A_227] : memref<2x32x200x50xi32, #tpu.memory_space<hbm>> -> memref<1x1x40x50xi32, #tpu.memory_space<hbm>>
          %dma_start3A_229 = tpu.memref_squeeze %dma_start3A_228 : memref<1x1x40x50xi32, #tpu.memory_space<hbm>> -> memref<40x50xi32, #tpu.memory_space<hbm>>
          %dma_start3A_230 = arith.constant 0 : i32
          %dma_start3A_231 = tpu.memref_slice %arg3[%run_scoped3A_165, %add3A, %mul3A_164, %dma_start3A_230] : memref<2x32x200x50xi32, #tpu.memory_space<hbm>> -> memref<1x1x40x50xi32, #tpu.memory_space<hbm>>
          %dma_start3A_232 = tpu.memref_squeeze %dma_start3A_231 : memref<1x1x40x50xi32, #tpu.memory_space<hbm>> -> memref<40x50xi32, #tpu.memory_space<hbm>>
          tpu.enqueue_dma source(%dma_start3A_232 : memref<40x50xi32, #tpu.memory_space<hbm>>) target(%arg7 : memref<40x50xi32, #tpu.memory_space<vmem>>) target_semaphore(%run_scoped3A_226 : memref<!tpu.dma_semaphore, #tpu.memory_space<semaphore_mem>>)
          %dma_wait3A_233 = arith.constant 0 : i32
          %dma_wait3A_234 = tpu.memref_slice %arg3[%run_scoped3A_165, %add3A, %mul3A_164, %dma_wait3A_233] : memref<2x32x200x50xi32, #tpu.memory_space<hbm>> -> memref<1x1x40x50xi32, #tpu.memory_space<hbm>>
          %dma_wait3A_235 = tpu.memref_squeeze %dma_wait3A_234 : memref<1x1x40x50xi32, #tpu.memory_space<hbm>> -> memref<40x50xi32, #tpu.memory_space<hbm>>
          %dma_wait3A_236 = arith.constant 0 : i32
          %dma_wait3A_237 = tpu.memref_slice %arg3[%run_scoped3A_165, %add3A, %mul3A_164, %dma_wait3A_236] : memref<2x32x200x50xi32, #tpu.memory_space<hbm>> -> memref<1x1x40x50xi32, #tpu.memory_space<hbm>>
          %dma_wait3A_238 = tpu.memref_squeeze %dma_wait3A_237 : memref<1x1x40x50xi32, #tpu.memory_space<hbm>> -> memref<40x50xi32, #tpu.memory_space<hbm>>
          tpu.wait_dma2 semaphore(%run_scoped3A_226 : memref<!tpu.dma_semaphore, #tpu.memory_space<semaphore_mem>>) src(%dma_wait3A_238 : memref<40x50xi32, #tpu.memory_space<hbm>>) dst(%arg7 : memref<40x50xi32, #tpu.memory_space<vmem>>)
          tpu.yield
        }) : () -> ()
        %dma_start3A_166 = arith.constant 0 : i32
        %dma_start3A_167 = arith.constant 0 : i32
        %dma_start3A_168 = arith.constant 0 : i32
        %dma_start3A_169 = arith.constant 0 : i32
        %dma_start3A_170 = arith.constant 0 : i32
        %dma_start3A_171 = tpu.memref_slice %arg8[%dma_start3A_167, %dma_start3A_169, %dma_start3A_170] : memref<5x50x128xf32, #tpu.memory_space<vmem>> -> memref<1x50x128xf32, #tpu.memory_space<vmem>>
        %dma_start3A_172 = tpu.memref_squeeze %dma_start3A_171 : memref<1x50x128xf32, #tpu.memory_space<vmem>> -> memref<50x128xf32, #tpu.memory_space<vmem>>
        %dma_start3A_173 = arith.constant 0 : i32
        %dma_start3A_174 = tpu.memref_slice %arg6[%dma_start3A_166, %dma_start3A_173] : memref<40x50xi32, #tpu.memory_space<vmem>> -> memref<1x50xi32, #tpu.memory_space<vmem>>
        %dma_start3A_175 = tpu.memref_squeeze %dma_start3A_174 : memref<1x50xi32, #tpu.memory_space<vmem>> -> memref<50xi32, #tpu.memory_space<vmem>>
        %dma_start3A_176 = arith.constant 0 : i32
        %dma_start3A_177 = arith.constant 0 : i32
        %dma_start3A_178 = tpu.memref_slice %arg2[%dma_start3A_176, %dma_start3A_177] : memref<10000x128xf32, #tpu.memory_space<hbm>> -> memref<10000x128xf32, #tpu.memory_space<hbm>>
        %dma_start3A_179 = tpu.memref_slice %arg10[%dma_start3A_168] : memref<5x!tpu.dma_semaphore, #tpu.memory_space<semaphore_mem>> -> memref<1x!tpu.dma_semaphore, #tpu.memory_space<semaphore_mem>>
        %dma_start3A_180 = tpu.memref_squeeze %dma_start3A_179 : memref<1x!tpu.dma_semaphore, #tpu.memory_space<semaphore_mem>> -> memref<!tpu.dma_semaphore, #tpu.memory_space<semaphore_mem>>
        tpu.enqueue_indirect_dma source(%dma_start3A_178 : memref<10000x128xf32, #tpu.memory_space<hbm>>) target(%dma_start3A_172 : memref<50x128xf32, #tpu.memory_space<vmem>>) offsets(%dma_start3A_175 : memref<50xi32, #tpu.memory_space<vmem>>) semaphore(%dma_start3A_180 : memref<!tpu.dma_semaphore, #tpu.memory_space<semaphore_mem>>)
        %dma_start3A_181 = arith.constant 1 : i32
        %dma_start3A_182 = arith.constant 1 : i32
        %dma_start3A_183 = arith.constant 1 : i32
        %dma_start3A_184 = arith.constant 0 : i32
        %dma_start3A_185 = arith.constant 0 : i32
        %dma_start3A_186 = tpu.memref_slice %arg8[%dma_start3A_182, %dma_start3A_184, %dma_start3A_185] : memref<5x50x128xf32, #tpu.memory_space<vmem>> -> memref<1x50x128xf32, #tpu.memory_space<vmem>>
        %dma_start3A_187 = tpu.memref_squeeze %dma_start3A_186 : memref<1x50x128xf32, #tpu.memory_space<vmem>> -> memref<50x128xf32, #tpu.memory_space<vmem>>
        %dma_start3A_188 = arith.constant 0 : i32
        %dma_start3A_189 = tpu.memref_slice %arg6[%dma_start3A_181, %dma_start3A_188] : memref<40x50xi32, #tpu.memory_space<vmem>> -> memref<1x50xi32, #tpu.memory_space<vmem>>
        %dma_start3A_190 = tpu.memref_squeeze %dma_start3A_189 : memref<1x50xi32, #tpu.memory_space<vmem>> -> memref<50xi32, #tpu.memory_space<vmem>>
        %dma_start3A_191 = arith.constant 0 : i32
        %dma_start3A_192 = arith.constant 0 : i32
        %dma_start3A_193 = tpu.memref_slice %arg2[%dma_start3A_191, %dma_start3A_192] : memref<10000x128xf32, #tpu.memory_space<hbm>> -> memref<10000x128xf32, #tpu.memory_space<hbm>>
        %dma_start3A_194 = tpu.memref_slice %arg10[%dma_start3A_183] : memref<5x!tpu.dma_semaphore, #tpu.memory_space<semaphore_mem>> -> memref<1x!tpu.dma_semaphore, #tpu.memory_space<semaphore_mem>>
        %dma_start3A_195 = tpu.memref_squeeze %dma_start3A_194 : memref<1x!tpu.dma_semaphore, #tpu.memory_space<semaphore_mem>> -> memref<!tpu.dma_semaphore, #tpu.memory_space<semaphore_mem>>
        tpu.enqueue_indirect_dma source(%dma_start3A_193 : memref<10000x128xf32, #tpu.memory_space<hbm>>) target(%dma_start3A_187 : memref<50x128xf32, #tpu.memory_space<vmem>>) offsets(%dma_start3A_190 : memref<50xi32, #tpu.memory_space<vmem>>) semaphore(%dma_start3A_195 : memref<!tpu.dma_semaphore, #tpu.memory_space<semaphore_mem>>)
        %dma_start3A_196 = arith.constant 2 : i32
        %dma_start3A_197 = arith.constant 2 : i32
        %dma_start3A_198 = arith.constant 2 : i32
        %dma_start3A_199 = arith.constant 0 : i32
        %dma_start3A_200 = arith.constant 0 : i32
        %dma_start3A_201 = tpu.memref_slice %arg8[%dma_start3A_197, %dma_start3A_199, %dma_start3A_200] : memref<5x50x128xf32, #tpu.memory_space<vmem>> -> memref<1x50x128xf32, #tpu.memory_space<vmem>>
        %dma_start3A_202 = tpu.memref_squeeze %dma_start3A_201 : memref<1x50x128xf32, #tpu.memory_space<vmem>> -> memref<50x128xf32, #tpu.memory_space<vmem>>
        %dma_start3A_203 = arith.constant 0 : i32
        %dma_start3A_204 = tpu.memref_slice %arg6[%dma_start3A_196, %dma_start3A_203] : memref<40x50xi32, #tpu.memory_space<vmem>> -> memref<1x50xi32, #tpu.memory_space<vmem>>
        %dma_start3A_205 = tpu.memref_squeeze %dma_start3A_204 : memref<1x50xi32, #tpu.memory_space<vmem>> -> memref<50xi32, #tpu.memory_space<vmem>>
        %dma_start3A_206 = arith.constant 0 : i32
        %dma_start3A_207 = arith.constant 0 : i32
        %dma_start3A_208 = tpu.memref_slice %arg2[%dma_start3A_206, %dma_start3A_207] : memref<10000x128xf32, #tpu.memory_space<hbm>> -> memref<10000x128xf32, #tpu.memory_space<hbm>>
        %dma_start3A_209 = tpu.memref_slice %arg10[%dma_start3A_198] : memref<5x!tpu.dma_semaphore, #tpu.memory_space<semaphore_mem>> -> memref<1x!tpu.dma_semaphore, #tpu.memory_space<semaphore_mem>>
        %dma_start3A_210 = tpu.memref_squeeze %dma_start3A_209 : memref<1x!tpu.dma_semaphore, #tpu.memory_space<semaphore_mem>> -> memref<!tpu.dma_semaphore, #tpu.memory_space<semaphore_mem>>
        tpu.enqueue_indirect_dma source(%dma_start3A_208 : memref<10000x128xf32, #tpu.memory_space<hbm>>) target(%dma_start3A_202 : memref<50x128xf32, #tpu.memory_space<vmem>>) offsets(%dma_start3A_205 : memref<50xi32, #tpu.memory_space<vmem>>) semaphore(%dma_start3A_210 : memref<!tpu.dma_semaphore, #tpu.memory_space<semaphore_mem>>)
        %dma_start3A_211 = arith.constant 3 : i32
        %dma_start3A_212 = arith.constant 3 : i32
        %dma_start3A_213 = arith.constant 3 : i32
        %dma_start3A_214 = arith.constant 0 : i32
        %dma_start3A_215 = arith.constant 0 : i32
        %dma_start3A_216 = tpu.memref_slice %arg8[%dma_start3A_212, %dma_start3A_214, %dma_start3A_215] : memref<5x50x128xf32, #tpu.memory_space<vmem>> -> memref<1x50x128xf32, #tpu.memory_space<vmem>>
        %dma_start3A_217 = tpu.memref_squeeze %dma_start3A_216 : memref<1x50x128xf32, #tpu.memory_space<vmem>> -> memref<50x128xf32, #tpu.memory_space<vmem>>
        %dma_start3A_218 = arith.constant 0 : i32
        %dma_start3A_219 = tpu.memref_slice %arg6[%dma_start3A_211, %dma_start3A_218] : memref<40x50xi32, #tpu.memory_space<vmem>> -> memref<1x50xi32, #tpu.memory_space<vmem>>
        %dma_start3A_220 = tpu.memref_squeeze %dma_start3A_219 : memref<1x50xi32, #tpu.memory_space<vmem>> -> memref<50xi32, #tpu.memory_space<vmem>>
        %dma_start3A_221 = arith.constant 0 : i32
        %dma_start3A_222 = arith.constant 0 : i32
        %dma_start3A_223 = tpu.memref_slice %arg2[%dma_start3A_221, %dma_start3A_222] : memref<10000x128xf32, #tpu.memory_space<hbm>> -> memref<10000x128xf32, #tpu.memory_space<hbm>>
        %dma_start3A_224 = tpu.memref_slice %arg10[%dma_start3A_213] : memref<5x!tpu.dma_semaphore, #tpu.memory_space<semaphore_mem>> -> memref<1x!tpu.dma_semaphore, #tpu.memory_space<semaphore_mem>>
        %dma_start3A_225 = tpu.memref_squeeze %dma_start3A_224 : memref<1x!tpu.dma_semaphore, #tpu.memory_space<semaphore_mem>> -> memref<!tpu.dma_semaphore, #tpu.memory_space<semaphore_mem>>
        tpu.enqueue_indirect_dma source(%dma_start3A_223 : memref<10000x128xf32, #tpu.memory_space<hbm>>) target(%dma_start3A_217 : memref<50x128xf32, #tpu.memory_space<vmem>>) offsets(%dma_start3A_220 : memref<50xi32, #tpu.memory_space<vmem>>) semaphore(%dma_start3A_225 : memref<!tpu.dma_semaphore, #tpu.memory_space<semaphore_mem>>)
      } else {
      }
    }
    %scan3A_67 = arith.constant 5 : i32
    %barrier3A_68 = arith.constant 0 : index
    tpu.barrier barrier_id(%barrier3A_68)
    %mul3A_69 = arith.constant 624 : i32
    %mul3A_70 = arith.muli %arg1, %mul3A_69 : i32
    %mul3A_71 = arith.constant 624 : i32
    %mul3A_72 = arith.muli %arg1, %mul3A_71 : i32
    "tpu.region"() ({
      %run_scoped3A_73 = tpu.sem_alloc : memref<!tpu.dma_semaphore, #tpu.memory_space<semaphore_mem>>
      %dma_start3A_74 = arith.constant 0 : i32
      %dma_start3A_75 = tpu.memref_slice %arg5[%arg0, %mul3A_72, %dma_start3A_74] : memref<2x10000x128xf32, #tpu.memory_space<hbm>> -> memref<1x640x128xf32, #tpu.memory_space<hbm>>
      %dma_start3A_76 = tpu.memref_squeeze %dma_start3A_75 : memref<1x640x128xf32, #tpu.memory_space<hbm>> -> memref<640x128xf32, #tpu.memory_space<hbm>>
      %dma_start3A_77 = arith.constant 0 : i32
      %dma_start3A_78 = tpu.memref_slice %arg9[%mul3A_70, %dma_start3A_77] : memref<10000x128xf32, #tpu.memory_space<vmem_shared>> -> memref<640x128xf32, #tpu.memory_space<vmem_shared>>
      tpu.enqueue_dma source(%dma_start3A_78 : memref<640x128xf32, #tpu.memory_space<vmem_shared>>) target(%dma_start3A_76 : memref<640x128xf32, #tpu.memory_space<hbm>>) target_semaphore(%run_scoped3A_73 : memref<!tpu.dma_semaphore, #tpu.memory_space<semaphore_mem>>)
      %dma_wait3A = arith.constant 0 : i32
      %dma_wait3A_79 = tpu.memref_slice %arg5[%arg0, %mul3A_72, %dma_wait3A] : memref<2x10000x128xf32, #tpu.memory_space<hbm>> -> memref<1x640x128xf32, #tpu.memory_space<hbm>>
      %dma_wait3A_80 = tpu.memref_squeeze %dma_wait3A_79 : memref<1x640x128xf32, #tpu.memory_space<hbm>> -> memref<640x128xf32, #tpu.memory_space<hbm>>
      %dma_wait3A_81 = arith.constant 0 : i32
      %dma_wait3A_82 = tpu.memref_slice %arg9[%mul3A_70, %dma_wait3A_81] : memref<10000x128xf32, #tpu.memory_space<vmem_shared>> -> memref<640x128xf32, #tpu.memory_space<vmem_shared>>
      tpu.wait_dma2 semaphore(%run_scoped3A_73 : memref<!tpu.dma_semaphore, #tpu.memory_space<semaphore_mem>>) src(%dma_wait3A_82 : memref<640x128xf32, #tpu.memory_space<vmem_shared>>) dst(%dma_wait3A_80 : memref<640x128xf32, #tpu.memory_space<hbm>>)
      tpu.yield
    }) : () -> ()
    return
  }
}

module attributes {stable_mosaic.version = 14 : i64} {
  func.func @_fin_body(%arg0: i32, %arg1: memref<2x2000x128xf32, #tpu.memory_space<vmem>>, %arg2: memref<2000x1xf32, #tpu.memory_space<vmem>>, %arg3: memref<1x128xf32, #tpu.memory_space<vmem>>, %arg4: memref<1x128xf32, #tpu.memory_space<vmem>>, %arg5: memref<2000x128xf32, #tpu.memory_space<vmem>>, %arg6: memref<128x128xf32, #tpu.memory_space<vmem>>, %arg7: memref<2000x128xf32, #tpu.memory_space<vmem>>) attributes {dimension_semantics = [#tpu.dimension_semantics<arbitrary>], iteration_bounds = array<i64: 5>, scalar_prefetch = 0 : i64, scratch_operands = 0 : i64, tpu.core_type = #tpu.core_type<tc>, window_params = [{transform_indices = @transform_0, window_bounds = array<i64: 2, 2000, 128>}, {transform_indices = @transform_1, window_bounds = array<i64: 2000, 1>}, {pipeline_mode = #tpu.pipeline_mode<synchronous>, transform_indices = @transform_2, window_bounds = array<i64: 1, 128>}, {pipeline_mode = #tpu.pipeline_mode<synchronous>, transform_indices = @transform_3, window_bounds = array<i64: 1, 128>}, {transform_indices = @transform_4, window_bounds = array<i64: 2000, 128>}, {pipeline_mode = #tpu.pipeline_mode<synchronous>, transform_indices = @transform_5, window_bounds = array<i64: 128, 128>}, {transform_indices = @transform_6, window_bounds = array<i64: 2000, 128>}]} {
    %get3A = arith.constant 0 : index
    %get3A_0 = arith.constant 0 : index
    %get3A_1 = arith.constant 0 : index
    %get3A_2 = vector.load %arg1[%get3A, %get3A_0, %get3A_1] : memref<2x2000x128xf32, #tpu.memory_space<vmem>>, vector<1x2000x128xf32>
    %get3A_3 = vector.shape_cast %get3A_2 : vector<1x2000x128xf32> to vector<2000x128xf32>
    %get3A_4 = arith.constant 1 : index
    %get3A_5 = arith.constant 0 : index
    %get3A_6 = arith.constant 0 : index
    %get3A_7 = vector.load %arg1[%get3A_4, %get3A_5, %get3A_6] : memref<2x2000x128xf32, #tpu.memory_space<vmem>>, vector<1x2000x128xf32>
    %get3A_8 = vector.shape_cast %get3A_7 : vector<1x2000x128xf32> to vector<2000x128xf32>
    %add3A = arith.addf %get3A_3, %get3A_8 : vector<2000x128xf32>
    %get3A_9 = arith.constant 0 : index
    %get3A_10 = arith.constant 0 : index
    %get3A_11 = vector.load %arg5[%get3A_9, %get3A_10] : memref<2000x128xf32, #tpu.memory_space<vmem>>, vector<2000x128xf32>
    %get3A_12 = arith.constant 0 : index
    %get3A_13 = arith.constant 0 : index
    %get3A_14 = vector.load %arg6[%get3A_12, %get3A_13] : memref<128x128xf32, #tpu.memory_space<vmem>>, vector<128x128xf32>
    %dot_general3A = arith.constant dense<0.000000e+00> : vector<2000x128xf32>
    %dot_general3A_15 = tpu.matmul %get3A_11, %get3A_14, %dot_general3A {dimension_numbers = #tpu.dot_dimension_numbers<[1], [1], [0], [0], [0, 0, 1, 0], [], []>, transpose_lhs_hint = false} : vector<2000x128xf32>, vector<128x128xf32>, vector<2000x128xf32> -> vector<2000x128xf32>
    %get3A_16 = arith.constant 0 : index
    %get3A_17 = arith.constant 0 : index
    %get3A_18 = vector.load %arg3[%get3A_16, %get3A_17] : memref<1x128xf32, #tpu.memory_space<vmem>>, vector<1x128xf32>
    %get3A_19 = arith.constant 0 : index
    %get3A_20 = arith.constant 0 : index
    %get3A_21 = vector.load %arg4[%get3A_19, %get3A_20] : memref<1x128xf32, #tpu.memory_space<vmem>>, vector<1x128xf32>
    %add3A_22 = arith.addf %get3A_18, %get3A_21 : vector<1x128xf32>
    %get3A_23 = arith.constant 0 : index
    %get3A_24 = arith.constant 0 : index
    %get3A_25 = vector.load %arg2[%get3A_23, %get3A_24] : memref<2000x1xf32, #tpu.memory_space<vmem>>, vector<2000x1xf32>
    %mul3A = vector.broadcast %get3A_25 : vector<2000x1xf32> to vector<2000x128xf32>
    %mul3A_26 = arith.mulf %add3A, %mul3A : vector<2000x128xf32>
    %add3A_27 = vector.broadcast %add3A_22 : vector<1x128xf32> to vector<2000x128xf32>
    %add3A_28 = arith.addf %mul3A_26, %add3A_27 : vector<2000x128xf32>
    %add3A_29 = arith.addf %add3A_28, %dot_general3A_15 : vector<2000x128xf32>
    %max3A = arith.constant 0.000000e+00 : f32
    %max3A_30 = vector.broadcast %max3A : f32 to vector<2000x128xf32>
    %max3A_31 = arith.maximumf %add3A_29, %max3A_30 : vector<2000x128xf32>
    %swap3A = arith.constant 0 : index
    %swap3A_32 = arith.constant 0 : index
    %swap3A_33 = vector.load %arg7[%swap3A, %swap3A_32] : memref<2000x128xf32, #tpu.memory_space<vmem>>, vector<2000x128xf32>
    tpu.vector_store %arg7[%swap3A, %swap3A_32], %max3A_31 {strides = array<i32>} : memref<2000x128xf32, #tpu.memory_space<vmem>>, vector<2000x128xf32>,
    return
  }
  func.func @transform_0(%arg0: i32) -> (i32, i32, i32) {
    %c0_i32 = arith.constant 0 : i32
    %c0_i32_0 = arith.constant 0 : i32
    %c0_i32_1 = arith.constant 0 : i32
    return %c0_i32, %arg0, %c0_i32_0 : i32, i32, i32
  }
  func.func @transform_1(%arg0: i32) -> (i32, i32) {
    %c0_i32 = arith.constant 0 : i32
    %c0_i32_0 = arith.constant 0 : i32
    return %arg0, %c0_i32 : i32, i32
  }
  func.func @transform_2(%arg0: i32) -> (i32, i32) {
    %c0_i32 = arith.constant 0 : i32
    %c0_i32_0 = arith.constant 0 : i32
    %c0_i32_1 = arith.constant 0 : i32
    return %c0_i32, %c0_i32_0 : i32, i32
  }
  func.func @transform_3(%arg0: i32) -> (i32, i32) {
    %c0_i32 = arith.constant 0 : i32
    %c0_i32_0 = arith.constant 0 : i32
    %c0_i32_1 = arith.constant 0 : i32
    return %c0_i32, %c0_i32_0 : i32, i32
  }
  func.func @transform_4(%arg0: i32) -> (i32, i32) {
    %c0_i32 = arith.constant 0 : i32
    %c0_i32_0 = arith.constant 0 : i32
    return %arg0, %c0_i32 : i32, i32
  }
  func.func @transform_5(%arg0: i32) -> (i32, i32) {
    %c0_i32 = arith.constant 0 : i32
    %c0_i32_0 = arith.constant 0 : i32
    %c0_i32_1 = arith.constant 0 : i32
    return %c0_i32, %c0_i32_0 : i32, i32
  }
  func.func @transform_6(%arg0: i32) -> (i32, i32) {
    %c0_i32 = arith.constant 0 : i32
    %c0_i32_0 = arith.constant 0 : i32
    return %arg0, %c0_i32 : i32, i32
  }
}

module attributes {stable_mosaic.version = 14 : i64} {
  func.func @_mm_body(%arg0: i32, %arg1: memref<2000x128xf32, #tpu.memory_space<vmem>>, %arg2: memref<128x128xf32, #tpu.memory_space<vmem>>, %arg3: memref<2000x1xf32, #tpu.memory_space<vmem>>, %arg4: memref<2000x128xf32, #tpu.memory_space<vmem>>) attributes {dimension_semantics = [#tpu.dimension_semantics<arbitrary>], iteration_bounds = array<i64: 5>, scalar_prefetch = 0 : i64, scratch_operands = 0 : i64, tpu.core_type = #tpu.core_type<tc>, window_params = [{transform_indices = @transform_0, window_bounds = array<i64: 2000, 128>}, {pipeline_mode = #tpu.pipeline_mode<synchronous>, transform_indices = @transform_1, window_bounds = array<i64: 128, 128>}, {transform_indices = @transform_2, window_bounds = array<i64: 2000, 1>}, {transform_indices = @transform_3, window_bounds = array<i64: 2000, 128>}]} {
    %get3A = arith.constant 0 : index
    %get3A_0 = arith.constant 0 : index
    %get3A_1 = vector.load %arg1[%get3A, %get3A_0] : memref<2000x128xf32, #tpu.memory_space<vmem>>, vector<2000x128xf32>
    %get3A_2 = arith.constant 0 : index
    %get3A_3 = arith.constant 0 : index
    %get3A_4 = vector.load %arg2[%get3A_2, %get3A_3] : memref<128x128xf32, #tpu.memory_space<vmem>>, vector<128x128xf32>
    %dot_general3A = arith.constant dense<0.000000e+00> : vector<2000x128xf32>
    %dot_general3A_5 = tpu.matmul %get3A_1, %get3A_4, %dot_general3A {dimension_numbers = #tpu.dot_dimension_numbers<[1], [0], [0], [1], [0, 0, 1, 1], [], []>, transpose_lhs_hint = false} : vector<2000x128xf32>, vector<128x128xf32>, vector<2000x128xf32> -> vector<2000x128xf32>
    %get3A_6 = arith.constant 0 : index
    %get3A_7 = arith.constant 0 : index
    %get3A_8 = vector.load %arg3[%get3A_6, %get3A_7] : memref<2000x1xf32, #tpu.memory_space<vmem>>, vector<2000x1xf32>
    %mul3A = vector.broadcast %get3A_8 : vector<2000x1xf32> to vector<2000x128xf32>
    %mul3A_9 = arith.mulf %dot_general3A_5, %mul3A : vector<2000x128xf32>
    %swap3A = arith.constant 0 : index
    %swap3A_10 = arith.constant 0 : index
    %swap3A_11 = vector.load %arg4[%swap3A, %swap3A_10] : memref<2000x128xf32, #tpu.memory_space<vmem>>, vector<2000x128xf32>
    tpu.vector_store %arg4[%swap3A, %swap3A_10], %mul3A_9 {strides = array<i32>} : memref<2000x128xf32, #tpu.memory_space<vmem>>, vector<2000x128xf32>,
    return
  }
  func.func @transform_0(%arg0: i32) -> (i32, i32) {
    %c0_i32 = arith.constant 0 : i32
    %c0_i32_0 = arith.constant 0 : i32
    return %arg0, %c0_i32 : i32, i32
  }
  func.func @transform_1(%arg0: i32) -> (i32, i32) {
    %c0_i32 = arith.constant 0 : i32
    %c0_i32_0 = arith.constant 0 : i32
    %c0_i32_1 = arith.constant 0 : i32
    return %c0_i32, %c0_i32_0 : i32, i32
  }
  func.func @transform_2(%arg0: i32) -> (i32, i32) {
    %c0_i32 = arith.constant 0 : i32
    %c0_i32_0 = arith.constant 0 : i32
    return %arg0, %c0_i32 : i32, i32
  }
  func.func @transform_3(%arg0: i32) -> (i32, i32) {
    %c0_i32 = arith.constant 0 : i32
    %c0_i32_0 = arith.constant 0 : i32
    return %arg0, %c0_i32 : i32, i32
  }
}

</mosaic_0001>

<sc_bundles>
// kernel: kernel.5.cloned.1.call-start
scs
__scs_entry_jumppad:
0x0: {  	(pc) =	sbr.rel $0x88, $3  }
0x1: {  	(tag) =	ssettag $0x0;
	lr =	simm.s32 $0x1  }
0x2: {  	[smem:$0x3F9A] =	sst lr;
	_ =	strace $0xD0000000  }
0x3: {  	_ = 	snop  }
0x4: {  	_ = 	snop  }
0x5: {  	_ = 	snop  }
0x6: {  	_ = 	snop  }
0x7: {  	_ = 	snop  }
__scs_overlays_trampoline_lowered:
0x8: {  	[smem:$0x3FA9] =	sst s0  }
0x9: {  	[smem:$0x3FAA] =	sst s1  }
0xa: {  	[smem:$0x3FAB] =	sst s2  }
0xb: {  	[smem:$0x3FAC] =	sst s3  }
0xc: {  	[smem:$0x3FAD] =	sst s4  }
0xd: {  	[smem:$0x3FAE] =	sst s5  }
0xe: {  	[smem:$0x3FAF] =	sst s6  }
0xf: {  	[smem:$0x3FB0] =	sst s7  }
0x10: {  	[smem:$0x3FB1] =	sst s8  }
0x11: {  	[smem:$0x3FB2] =	sst s9;
	s0 =	simm.s32 @!p0 $0x0  }
0x12: {  	s1 =	sld [smem:$0x3F98];
	s0 =	simm.s32 @p0 $0x1  }
0x13: {  	[smem:$0x3FB3] =	sst s0;
	s0 =	simm.s32 @!p1 $0x0  }
0x14: {  	s2 =	sld [smem:$0x3F97];
	s0 =	simm.s32 @p1 $0x1  }
0x15: {  	[smem:$0x3FB4] =	sst s0;
	s0 =	simm.s32 @!p2 $0x0  }
0x16: {  	s3 =	sld [smem:$0x3FDB];
	s0 =	simm.s32 @p2 $0x1  }
0x17: {  	s4 =	simm.s32 $0x1BF5;
	[smem:$0x3FB6] =	sst s0  }
0x18: {  	s0 =	sld [smem:$0x3F99];
	_ =	swait.ge [sflag:s4], $0x0  }
0x19: {  	s7 =	sld [smem:$0x3F9A]  }
0x1a: {  	s8 =	sadd.s32 $0xFFFFE003, lr  }
0x1b: {  	s9 =	sadd.s32 $0xFFFFFEF7, lr;
	s5 =	simm.s32 $0xFFFFFFFF;
	p2 =	slt.u32 s8, $0xFFFFF086  }
0x1c: {  	p1 =	slt.u32 s9, $0xF7A;
	s5 =	simm.s32 @!p2 $0x0  }
0x1d: {  	s5 =	simm.s32 @p1 $0x1;
	p0 =	seq.s32 s7, s2  }
0x1e: {  	s7 =	smul.u32 @!p0 $0xF7A, s2;
	p2 =	seq.s32 @!p0 s5, $0x0  }
0x1f: {  	s9 =	smul.u32 $0xF7A, s1;
	s8 =	simm.s32 @!p0 $0x1BF5;
	p2 =	por !p2, p0  }
0x20: {  	[sflag:s8] =	ssyncset.s32 @!p0 $0xFFFFF086;
	s6 =	sadd.s32 @!p0 s3, s7;
	s7 =	simm.s32 @!p0 $0x108  }
0x21: {  	s3 =	sadd.s32 s3, s9;
	s6 =	sadd.s32 @!p0 $0x88, s6;
	s7 =	simm.s32 @p2 $0x1082  }
0x22: {  	[simem:s7], [sflag:s8] =	dma.local @!p0 [hbm:s6], $0xF7A  }
0x23: {  	s9 =	sor.u32 $0xD0000000, s2;
	s6 =	simm.s32 $0x108;
	_ =	swait.ge @!p0 [sflag:s8], $0x0  }
0x24: {  	s3 =	sadd.s32 $0x88, s3;
	s6 =	simm.s32 @!p1 $0x1082;
	[sflag:s4] =	ssyncset.s32 $0xFFFFF086  }
0x25: {  	[simem:s6], [sflag:s4] =	dma.local [hbm:s3], $0xF7A  }
0x26: {  	[smem:$0x3F9A] =	sst s1;
	(tag) =	ssettag s2;
	_ =	strace s9  }
0x27: {  	s1 =	sld [smem:$0x3FAA]  }
0x28: {  	s2 =	sld [smem:$0x3FAB]  }
0x29: {  	s4 =	sld [smem:$0x3FAD]  }
0x2a: {  	p0 =	seq.s32 s5, $0x0;
	s5 =	sld [smem:$0x3FAE]  }
0x2b: {  	s6 =	sld [smem:$0x3FAF]  }
0x2c: {  	s7 =	sld [smem:$0x3FB0]  }
0x2d: {  	s3 =	simm.s32 $0x108;
	s8 =	sld [smem:$0x3FB1]  }
0x2e: {  	s3 =	simm.s32 @!p0 $0x1082;
	s9 =	sld [smem:$0x3FB2]  }
0x2f: {  	lr =	sadd.s32 s0, s3;
	s0 =	sld [smem:$0x3FA9]  }
0x30: {  	s3 =	sld [smem:$0x3FAC]  }
0x31: {  	[smem:$0x3FB5] =	sst s10  }
0x32: {  	s10 =	sld [smem:$0x3FB3];
	_ =	sdelay $0x3  }
0x33: {  	p0 =	seq.s32 s10, $0x1;
	s10 =	sld [smem:$0x3FB5];
	_ =	sdelay $0x3  }
0x34: {  	[smem:$0x3FB5] =	sst s10  }
0x35: {  	s10 =	sld [smem:$0x3FB4];
	_ =	sdelay $0x3  }
0x36: {  	p1 =	seq.s32 s10, $0x1;
	s10 =	sld [smem:$0x3FB5];
	_ =	sdelay $0x3  }
0x37: {  	[smem:$0x3FB5] =	sst s10  }
0x38: {  	s10 =	sld [smem:$0x3FB6]  }
0x39: {  	_ = 	snop;
	(pc) =	sbr.ind lr, $3  }
0x3a: {  	_ = 	snop  }
0x3b: {  	_ = 	snop  }
0x3c: {  	p2 =	seq.s32 s10, $0x1;
	s10 =	sld [smem:$0x3FB5]  }
0x3d: {  	_ =	shalt  }
0x3e: {  	_ =	shalt  }
0x3f: {  	_ =	shalt  }
0x40: {  	_ =	shalt  }
0x41: {  	_ =	shalt  }
0x42: {  	_ =	shalt  }
0x43: {  	_ =	shalt  }
0x44: {  	_ =	shalt  }
0x45: {  	_ =	shalt  }
0x46: {  	_ =	shalt  }
0x47: {  	_ =	shalt  }
0x48: {  	_ =	shalt  }
0x49: {  	_ =	shalt  }
0x4a: {  	_ =	shalt  }
0x4b: {  	_ =	shalt  }
0x4c: {  	_ =	shalt  }
0x4d: {  	_ =	shalt  }
0x4e: {  	_ =	shalt  }
0x4f: {  	_ =	shalt  }
0x50: {  	_ =	shalt  }
0x51: {  	_ =	shalt  }
0x52: {  	_ =	shalt  }
0x53: {  	_ =	shalt  }
0x54: {  	_ =	shalt  }
0x55: {  	_ =	shalt  }
0x56: {  	_ =	shalt  }
0x57: {  	_ =	shalt  }
0x58: {  	_ =	shalt  }
0x59: {  	_ =	shalt  }
0x5a: {  	_ =	shalt  }
0x5b: {  	_ =	shalt  }
0x5c: {  	_ =	shalt  }
0x5d: {  	_ =	shalt  }
0x5e: {  	_ =	shalt  }
0x5f: {  	_ =	shalt  }
0x60: {  	_ =	shalt  }
0x61: {  	_ =	shalt  }
0x62: {  	_ =	shalt  }
0x63: {  	_ =	shalt  }
0x64: {  	_ =	shalt  }
0x65: {  	_ =	shalt  }
0x66: {  	_ =	shalt  }
0x67: {  	_ =	shalt  }
0x68: {  	_ =	shalt  }
0x69: {  	_ =	shalt  }
0x6a: {  	_ =	shalt  }
0x6b: {  	_ =	shalt  }
0x6c: {  	_ =	shalt  }
0x6d: {  	_ =	shalt  }
0x6e: {  	_ =	shalt  }
0x6f: {  	_ =	shalt  }
0x70: {  	_ =	shalt  }
0x71: {  	_ =	shalt  }
0x72: {  	_ =	shalt  }
0x73: {  	_ =	shalt  }
0x74: {  	_ =	shalt  }
0x75: {  	_ =	shalt  }
0x76: {  	_ =	shalt  }
0x77: {  	_ =	shalt  }
0x78: {  	_ =	shalt  }
0x79: {  	_ =	shalt  }
0x7a: {  	_ =	shalt  }
0x7b: {  	_ =	shalt  }
0x7c: {  	_ =	shalt  }
0x7d: {  	_ =	shalt  }
0x7e: {  	_ =	shalt  }
0x7f: {  	_ =	shalt  }
0x80: {  	_ =	shalt  }
0x81: {  	_ =	shalt  }
0x82: {  	_ =	shalt  }
0x83: {  	_ =	shalt  }
0x84: {  	_ =	shalt  }
0x85: {  	_ =	shalt  }
0x86: {  	_ =	shalt  }
0x87: {  	_ =	shalt  }
.Lfunc_end0:
.L_simem_size_0:
called_computation_lowered:
.L_overlay_start_0:
0x88: {  	s2 =	sld [smem:$0x3FD9]  }
0x89: {  	s3 =	sld [smem:$0x3FFE];
	_ =	sdelay $0x1  }
0x8a: {  	s1 =	srdreg.scid  }
0x8b: {  	s0 =	sand.u32 $0x1, s1  }
0x8c: {  	s17 =	sshll.u32 s0, $0xA;
	s2 =	sadd.s32 s3, s2  }
0x8d: {  	s2 =	sadd.s32 s2, s17  }
0x8e: {  	[smem:$0x3FC1] =	sst s2  }
0x8f: {  	_ = 	snop  }
0x90: {  	s2 =	sld [smem:$0x3FD0];
	(tm) =	ssettm $0x1  }
0x91: {  	s18 =	sld [smem:$0x3FFB];
	_ =	sdelay $0x3  }
0x92: {  	_ =	strace s18  }
0x93: {  	s3 =	sld [smem:$0x3FFC];
	_ =	sdelay $0x3  }
0x94: {  	_ =	strace s3  }
0x95: {  	s3 =	sld [smem:$0x3FFD];
	_ =	sdelay $0x3  }
0x96: {  	_ =	strace s3  }
0x97: {  	_ =	strace $0x8FFFFFFF  }
0x98: {  	s19 =	sld [smem:$0x3FDB];
	_ =	sdelay $0x1  }
0x99: {  	s4 =	simm.s32 $_scs_section_size  }
0x9a: {  	s5 =	simm.s32 $_size__tile_overlayer_lowered;
	s6 =	simm.s32 $_tile_overlayer_lowered  }
0x9b: {  	s22 =	simm.s32 $0x1BFF;
	s21 =	sshll.u32 s6, $0x1;
	s3 =	sadd.s32 s4, s19  }
0x9c: {  	s7 =	simm.s32 $0x0;
	s20 =	sshll.u32 s5, $0x1;
	s5 =	sadd.s32 s21, s3  }
0x9d: {  	[timem:s7], [sflag:s22] =	dma.local [hbm:s5], s20  }
0x9e: {  	_ =	swait.ge [sflag:s22], s20  }
0x9f: {  	s4 =	ssub.s32 $0x0, s20;
	[sflag:s22] =	ssyncset.done $0x0  }
0xa0: {  	[sflag:s22] =	ssyncadd.s32 s4;
	_ =	sdelay $0x1  }
0xa1: {  	s23 =	simm.s32 $0x1B8B  }
0xa2: {  	_ =	swait.ge [sflag:s23], $0x1  }
0xa3: {  	[sflag:s23] =	ssyncset.done $0x0  }
0xa4: {  	s25 =	simm.s32 $0x1B8E;
	s24 =	sld [smem:$0x3FFE];
	[sflag:s23] =	ssyncadd.s32 $0xFFFFFFFF  }
0xa5: {  	s26 =	simm.s32 $execute0_lowered;
	[smem:$0x3FD2] =	sst s25  }
0xa6: {  	s5 =	sshll.u32 s26, $0x1;
	_ =	strace $0x80000046;
	[dreg:$0x1] =	wrdreg $0xFFFFFFFF  }
0xa7: {  	s28 =	simm.s32 $_size_execute0_lowered;
	s3 =	sadd.s32 s3, s5;
	[dreg:$0x0] =	wrdreg $0x0  }
0xa8: {  	s5 =	sshll.u32 s28, $0x1;
	[dreg:$0x2] =	wrdreg s3  }
0xa9: {  	[dreg:$0x3] =	wrdreg s5  }
0xaa: {  	[dreg:$0x4] =	wrdreg $0xC0  }
0xab: {  	_ =	task [dreg:s7], $0x5FFFF  }
0xac: {  	[dreg:$0x1] =	wrdreg $0xFFFFFFFF  }
0xad: {  	[dreg:$0x0] =	wrdreg $0x60  }
0xae: {  	[dreg:$0x2] =	wrdreg s2  }
0xaf: {  	[dreg:$0x3] =	wrdreg s24  }
0xb0: {  	[dreg:$0x4] =	wrdreg $0xB4000  }
0xb1: {  	[dreg:$0x5] =	wrdreg $0x9  }
0xb2: {  	_ =	task.clear_ibuf [dreg:s7], $0x6FFFF;
	_ =	strace $0x90000046  }
0xb3: {  	s29 =	simm.s32 $0x9;
	_ =	strace $0x80000048  }
0xb4: {  	_ =	swait.ge [sflag:s29], $0x1  }
0xb5: {  	[sflag:s29] =	ssyncadd.s32 $0xFFFFFFFF  }
0xb6: {  	_ =	strace $0x90000048  }
0xb7: {  	_ =	sfence  }
0xb8: {  	s30 =	sld [smem:$0x0];
	_ =	sdelay $0x2  }
0xb9: {  	s31 =	sshll.u32 s1, $0xD;
	s1 =	sshrl.u32 s1, $0x2  }
0xba: {  	s3 =	sand.u32 $0x4000, s31;
	s1 =	sadd.s32 s1, s30  }
0xbb: {  	s0 =	sor.u32 s3, s0;
	s1 =	sshll.u32 s1, $0x11  }
0xbc: {  	s0 =	sor.u32 s1, s0  }
0xbd: {  	s0 =	sadd.s32 $0x8F2B, s0  }
0xbe: {  	[sflag:s0] =	ssyncadd.remote.s32 $0x1  }
0xbf: {  	_ =	sfence.sel $0xFFFF  }
0xc0: {  	[dreg:$0x0] =	wrdreg $0xFFFFFFFF;
	(pc) =	sbr.abs _section_cstart, $3  }
0xc1: {  	[dreg:$0x1] =	wrdreg $0xFFFFFFFF  }
0xc2: {  	_ =	task.clear_ibuf [dreg:s7], $0x2FFFF;
	_ =	strace $0x9FFFFFFF  }
0xc3: {  	(tm) =	ssettm $0x7FFFFFFF  }
tec
execute0_lowered:
.L_overlay_start_1:
0x0: {  	(tag) =	ssettag $0x1  }
0x1: {  	s1 =	rddreg [dreg:$0x0]  }
0x2: {  	s0 =	rddreg [dreg:$0x1]  }
0x3: {  	s2 =	rddreg [dreg:$0x2];
	s3 =	srdreg.scid  }
0x4: {  	s4 =	simm.s32 $0x0;
	s10 =	stileid.u32;
	s14 =	simm.s32 $0xB  }
0x5: {  	s16 =	simm.s32 $0x32;
	s20 =	simm.s32 $0x100;
	s21 =	simm.s32 $0x6000  }
0x6: {  	s22 =	simm.s32 $0x180;
	s23 =	simm.s32 $0x7C00;
	s28 =	simm.s32 $0x9  }
0x7: {  	s29 =	simm.s32 $0xA;
	s30 =	simm.s32 $0x0;
	s7 =	smul.u32 $0x13800, s10  }
0x8: {  	s3 =	sand.u32 $0x1, s3;
	[smem:$0x7FF] =	sst s4;
	s25 =	smul.u32 $0x4E000, s10  }
0x9: {  	s5 =	sadd.s32 $0x1A00, s0;
	s8 =	sshll.u32 s10, $0x1;
	s6 =	smul.u32 $0x138800, s3  }
0xa: {  	s10 =	sshll.u32 s10, $0x6;
	s24 =	sor.u32 s3, s8;
	s3 =	ssub.s32 $0x2, s3  }
0xb: {  	_ =	strace $0x80000047;
	s26 =	sshrl.u32 s3, $0x1;
	s6 =	sadd.s32 s7, s6  }
0xc: {  	s8 =	sshrl.u32 s25, $0x2;
	s9 =	sshrl.u32 s6, $0x3;
	s6 =	smul.u32 $0x6400, s24  }
.Ltmp0:
0xd: {  	s25 =	simm.s32 $0x7;
	s7 =	sadd.s32 $0x33A00, s0;
	(pc) =	sbr.rel .LBB2_1-.Ltmp0, $4  }
0xe: {  	s3 =	ssub.s32 s3, s26;
	s13 =	sadd.s32 s8, s2;
	s26 =	simm.s32 $0x8  }
0xf: {  	s12 =	smax.u32 s3, $0x1;
	s13 =	sshrl.u32 s13, $0x3;
	s31 =	sshrl.u32 s6, $0x3  }
0x10: {  	s24 =	simm.s32 $0x6;
	s0 =	sadd.s32 s9, s0;
	s8 =	sadd.s32 s5, s31  }
0x11: {  	s9 =	sor.u32 $0x1C0B, s10;
	s11 =	sadd.s32 $0x36200, s0;
	s10 =	sadd.s32 $0x19000, s8  }
.LBB2_9:
0x12: {  	s30 =	sadd.s32 $0x1, s30  }
0x13: {  	p0 =	sne.s32 s30, s12  }
.Ltmp1:
0x14: {  	[bflag:$0x0] =	sbarrier.arrive $0xFFFF;
	(pc) =	sbr.rel @!p0 .LBB2_10-.Ltmp1, $4  }
0x15: {  	[hbm:s11], [sflag:s9] =	dma.local [spmem:s13], $0x2800  }
0x16: {  	_ =	swait.ge [sflag:s14], $0x2800  }
0x17: {  	[sflag:s14] =	ssyncset.done $0x0  }
0x18: {  	[sflag:s14] =	ssyncadd.s32 $0xFFFFD800  }
.LBB2_1:
0x19: {  	[spmem:s13], [sflag:s9] =	dma.local [hbm:s7], $0x2800  }
0x1a: {  	_ =	swait.ge [sflag:s14], $0x2800  }
0x1b: {  	[sflag:s14] =	ssyncset.done $0x0  }
0x1c: {  	[sflag:s14] =	ssyncadd.s32 $0xFFFFD800  }
0x1d: {  	[tilespmem:s4], [sflag:$0xB] =	stream.linear.gather [hbm4b:s8+s4], $0x1400, $0x38;
	[tilespmem:$0x1EC80] =	vst v63  }
0x1e: {  	_ =	swait.ge [sflag:s14], $0x1400  }
0x1f: {  	[sflag:s14] =	ssyncset.done $0x0  }
0x20: {  	s0 =	simm.s32 $0x1400;
	[sflag:s14] =	ssyncadd.s32 $0xFFFFEC00  }
0x21: {  	[tilespmem:s0], [sflag:$0xB] =	stream.linear.gather [hbm4b:s10+s4], $0x1400, $0x38;
	[tilespmem:$0x1EC80] =	vst v63  }
0x22: {  	_ =	swait.ge [sflag:s14], $0x1400  }
0x23: {  	[sflag:s14] =	ssyncset.done $0x0  }
0x24: {  	s18 =	simm.s32 $0x2800;
	[sflag:s14] =	ssyncadd.s32 $0xFFFFEC00  }
0x25: {  	[tilespmem:s18], [sflag:$0x1] =	stream.indirect.gather [hbm4b:s1+s16], $0x80, s4, s16, $0xb8;
	[tilespmem:$0x1EC80] =	vst v63  }
0x26: {  	s19 =	simm.s32 $0x80;
	s3 =	simm.s32 $0x4400  }
0x27: {  	[tilespmem:s3], [sflag:$0x2] =	stream.indirect.gather [hbm4b:s1+s16], $0x80, s19, s16, $0xb8;
	[tilespmem:$0x1EC80] =	vst v63  }
0x28: {  	_ = 	snop  }
0x29: {  	[tilespmem:s21], [sflag:$0x3] =	stream.indirect.gather [hbm4b:s1+s16], $0x80, s20, s16, $0xb8;
	[tilespmem:$0x1EC80] =	vst v63  }
.Ltmp2:
0x2a: {  	_ = 	snop;
	(pc) =	sbr.rel .LBB2_2-.Ltmp2, $4  }
0x2b: {  	_ = 	snop  }
0x2c: {  	[tilespmem:s23], [sflag:$0x4] =	stream.indirect.gather [hbm4b:s1+s16], $0x80, s22, s16, $0xb8;
	[tilespmem:$0x1EC80] =	vst v63  }
0x2d: {  	[bflag:$0x0] =	sbarrier.arrive $0xFFFF  }
0x2e: {  	s31 =	simm.s32 $0x0  }
.LBB2_8:
0x2f: {  	_ =	swait.ge [sflag:s24], $0x1900  }
0x30: {  	[sflag:s24] =	ssyncset.done $0x0  }
0x31: {  	[sflag:s24] =	ssyncadd.s32 $0xFFFFE700  }
0x32: {  	_ =	swait.ge [sflag:s25], $0x1900  }
0x33: {  	[sflag:s25] =	ssyncset.done $0x0  }
0x34: {  	[sflag:s25] =	ssyncadd.s32 $0xFFFFE700  }
0x35: {  	_ =	swait.ge [sflag:s26], $0x1900  }
0x36: {  	[sflag:s26] =	ssyncset.done $0x0  }
0x37: {  	p0 =	seq.s32 s31, $0x4;
	[sflag:s26] =	ssyncadd.s32 $0xFFFFE700  }
0x38: {  	s31 =	sadd.s32 @!p0 $0x1, s31;
	_ =	swait.ge [sflag:s28], $0x1900  }
0x39: {  	s0 =	smul.u32 @!p0 $0x1400, s31;
	[sflag:s28] =	ssyncset.done $0x0  }
0x3a: {  	[sflag:s28] =	ssyncadd.s32 $0xFFFFE700  }
0x3b: {  	s0 =	sadd.s32 @!p0 s6, s0;
	_ =	swait.ge [sflag:s29], $0x1900  }
0x3c: {  	s3 =	simm.s32 @!p0 $0x0;
	s0 =	sshrl.u32 @!p0 s0, $0x3;
	[sflag:s29] =	ssyncset.done $0x0  }
0x3d: {  	s15 =	simm.s32 @!p0 $0xB;
	s0 =	sadd.s32 @!p0 s5, s0;
	[sflag:s29] =	ssyncadd.s32 $0xFFFFE700  }
0x3e: {  	[tilespmem:s3], [sflag:$0xB] =	stream.linear.gather @!p0 [hbm4b:s0+s3], $0x1400, $0x38;
	[tilespmem:$0x1EC80] =	vst v63  }
0x3f: {  	_ =	swait.ge @!p0 [sflag:s15], $0x1400  }
0x40: {  	[sflag:s15] =	ssyncset.done @!p0 $0x0  }
0x41: {  	s17 =	simm.s32 @!p0 $0x1400;
	s0 =	sadd.s32 @!p0 $0x19000, s0;
	[sflag:s15] =	ssyncadd.s32 @!p0 $0xFFFFEC00  }
0x42: {  	[tilespmem:s17], [sflag:$0xB] =	stream.linear.gather @!p0 [hbm4b:s0+s3], $0x1400, $0x38;
	[tilespmem:$0x1EC80] =	vst v63  }
0x43: {  	_ =	swait.ge @!p0 [sflag:s15], $0x1400  }
0x44: {  	[sflag:s15] =	ssyncset.done @!p0 $0x0  }
0x45: {  	s0 =	simm.s32 @!p0 $0x32;
	[sflag:s15] =	ssyncadd.s32 @!p0 $0xFFFFEC00;
	s15 =	simm.s32 @!p0 $0x2800  }
0x46: {  	[tilespmem:s15], [sflag:$0x1] =	stream.indirect.gather @!p0 [hbm4b:s1+s0], $0x80, s3, s0, $0xb8;
	[tilespmem:$0x1EC80] =	vst v63  }
0x47: {  	s3 =	simm.s32 @!p0 $0x80;
	s15 =	simm.s32 @!p0 $0x4400  }
0x48: {  	[tilespmem:s15], [sflag:$0x2] =	stream.indirect.gather @!p0 [hbm4b:s1+s0], $0x80, s3, s0, $0xb8;
	[tilespmem:$0x1EC80] =	vst v63  }
0x49: {  	s3 =	simm.s32 @!p0 $0x100;
	s15 =	simm.s32 @!p0 $0x6000  }
0x4a: {  	[tilespmem:s15], [sflag:$0x3] =	stream.indirect.gather @!p0 [hbm4b:s1+s0], $0x80, s3, s0, $0xb8;
	[tilespmem:$0x1EC80] =	vst v63  }
0x4b: {  	p1 =	sne.s32 @!p0 s31, $0x5;
	s3 =	simm.s32 @!p0 $0x180;
	s15 =	simm.s32 @!p0 $0x7C00  }
0x4c: {  	[tilespmem:s15], [sflag:$0x4] =	stream.indirect.gather @!p0 [hbm4b:s1+s0], $0x80, s3, s0, $0xb8;
	[tilespmem:$0x1EC80] =	vst v63  }
0x4d: {  	p0 =	por p0, !p1  }
.Ltmp3:
0x4e: {  	_ = 	snop;
	(pc) =	sbr.rel @p0 .LBB2_9-.Ltmp3, $1  }
0x4f: {  	_ =	sdelay $0x3  }
.LBB2_2:
.Ltmp4:
0x50: {  	(pc) =	sbr.rel .LBB2_3-.Ltmp4, $2  }
0x51: {  	_ =	sdelay $0x2  }
0x52: {  	s0 =	simm.s32 $0x1400;
	s15 =	simm.s32 $0xFFFFFFFF;
	s3 =	simm.s32 $0x200  }
.LBB2_4:
0x53: {  	s19 =	sadd.s32 $0x6, s18  }
0x54: {  	_ =	swait.ge [sflag:s19], $0x1900  }
0x55: {  	[sflag:s19] =	ssyncset.done $0x0  }
0x56: {  	[sflag:s19] =	ssyncadd.s32 $0xFFFFE700  }
.LBB2_6:
0x57: {  	s19 =	smul.u32 $0x7000, s18;
	_ =	sdelay $0x1  }
0x58: {  	s19 =	sshrl.u32 s19, $0x2  }
0x59: {  	s18 =	sadd.s32 $0x1, s18;
	s19 =	sadd.s32 $0x2800, s19  }
0x5a: {  	[tilespmem:s19], [sflag:s18] =	stream.indirect.gather [hbm4b:s1+s16], $0x80, s3, s16, $0xb8;
	[tilespmem:$0x1EC80] =	vst v63  }
.LBB2_7:
0x5b: {  	s17 =	sadd.s32 $0xCD, s17  }
0x5c: {  	s17 =	sshrl.u32 s17, $0xA  }
0x5d: {  	s17 =	sand.u32 $0x3F, s17  }
0x5e: {  	s17 =	smul.u32 $0x5, s17;
	_ =	sdelay $0x1  }
0x5f: {  	s17 =	ssub.s32 s15, s17  }
0x60: {  	s17 =	sand.u32 $0xFF, s17  }
0x61: {  	p0 =	sne.s32 s15, $0x27;
	s18 =	smul.u32 $0x7000, s17;
	s19 =	sadd.s32 $0x1, s17  }
.Ltmp5:
0x62: {  	_ =	swait.ge [sflag:s19], $0x1900;
	(pc) =	sbr.rel @!p0 .LBB2_8-.Ltmp5, $4  }
0x63: {  	s18 =	sshrl.u32 s18, $0x2;
	[sflag:s19] =	ssyncset.done $0x0  }
0x64: {  	s17 =	sadd.s32 $0x6, s17;
	s18 =	sadd.s32 $0x2800, s18;
	[sflag:s19] =	ssyncadd.s32 $0xFFFFE700  }
0x65: {  	[spmem:s2] =	stream.indirect.scatter.add.f32 [tilespmem:s18], [sflag:s17], $0x80, s0, s16, $0xb8;
	[tilespmem:$0x1EC80] =	vst v63  }
0x66: {  	s3 =	sadd.s32 $0x80, s3;
	s0 =	sadd.s32 $0x80, s0  }
.LBB2_3:
0x67: {  	s17 =	smul.u32 $0xCD, s15;
	_ =	sdelay $0x1  }
0x68: {  	s18 =	sadd.s32 $0x401, s17  }
0x69: {  	s18 =	sshrl.u32 s18, $0xA  }
0x6a: {  	s18 =	sand.u32 $0x3F, s18  }
0x6b: {  	p0 =	sgt.u32 s15, $0x22;
	s18 =	smul.u32 $0x5, s18  }
.Ltmp6:
0x6c: {  	_ = 	snop;
	(pc) =	sbr.rel @!p0 .LBB2_4-.Ltmp6, $4  }
0x6d: {  	_ = 	snop  }
0x6e: {  	s18 =	ssub.s32 s15, s18  }
0x6f: {  	s18 =	sadd.s32 $0x5, s18  }
0x70: {  	s15 =	sadd.s32 $0x1, s15;
	s18 =	sand.u32 $0xFF, s18  }
0x71: {  	p0 =	sgt.u32 s15, $0x23  }
.Ltmp7:
0x72: {  	_ = 	snop;
	(pc) =	sbr.rel @p0 .LBB2_7-.Ltmp7, $4  }
.Ltmp8:
0x73: {  	_ = 	snop;
	(pc) =	sbr.rel @!p0 .LBB2_6-.Ltmp8, $4  }
0x74: {  	_ = 	snop  }
0x75: {  	_ = 	snop  }
0x76: {  	_ = 	snop  }
0x77: {  	_ = 	snop  }
.LBB2_10:
0x78: {  	_ =	sfence.sel $0x180000  }
0x79: {  	[bflag:$0x0] =	sbarrier.arrive $0xFFFF  }
0x7a: {  	_ =	strace $0x90000047  }
0x7b: {  	s0 =	stileid.u32;
	[bflag:$0x2] =	sbarrier.arrive $0xFFFF  }
0x7c: {  	p0 =	sne.s32 s0, $0x0;
	s0 =	rddreg [dreg:$0x3]  }
0x7d: {  	s0 =	sadd.s32 @!p0 $0x100000, s0  }
0x7e: {  	[sflag:s0] =	ssyncadd.tile.s32 @!p0 $0x1;
	_ =	shalt  }
.Lfunc_end2:
_tile_overlayer_lowered:
.L_overlay_start_2:
0x7f: {  	(tag) =	ssettag $0x2  }
0x80: {  	s0 =	rddreg [dreg:$0x0];
	s2 =	stileid.u32  }
0x81: {  	s1 =	rddreg [dreg:$0x1];
	p0 =	sne.s32 s2, $0x0  }
0x82: {  	s3 =	rddreg [dreg:$0x2];
	[bflag:$0x3] =	sbarrier.arrive $0xFFFF;
	s2 =	simm.s32 @!p0 $0x1C0B  }
0x83: {  	[timem:s3], [sflag:s2] =	dma.local @!p0 [hbm:s0], s1  }
0x84: {  	s0 =	simm.s32 @!p0 $0xB  }
0x85: {  	_ =	swait.ge @!p0 [sflag:s0], s1  }
0x86: {  	s1 =	ssub.s32 @!p0 $0x0, s1;
	[sflag:s0] =	ssyncset.done @!p0 $0x0  }
0x87: {  	[sflag:s0] =	ssyncadd.s32 @!p0 s1  }
0x88: {  	[bflag:$0x3] =	sbarrier.arrive $0xFFFF  }
0x89: {  	_ =	shalt  }

</sc_bundles>
